<compile_context>
chip_gen: v7x
topology: tpu7x:2x2x1
jax: 0.10.2.dev20260603
libtpu: 0.0.44.dev20260713+nightly
codegen_flags: <defaults>
</compile_context>

<pallas_src>
import functools

import jax
import jax.numpy as jnp
from jax import lax
from jax.experimental import pallas as pl
from jax.experimental.pallas import tpu as pltpu
from jax.experimental.pallas import tpu_sc as plsc

_NUM_CLASSES = 1000000
_D = 32

_NC = 2
_NS = 16
_NW = _NC * _NS

_NB = 8


def _make_gather(batch, seqlen):
    assert batch % (_NW * 2 * _NB) == 0
    rows_per_w = batch // _NW
    n_chunks = rows_per_w // _NB
    n_pairs = n_chunks // 2

    mesh = plsc.VectorSubcoreMesh(core_axis_name="c", subcore_axis_name="s")

    @functools.partial(
        pl.kernel,
        out_type=jax.ShapeDtypeStruct((batch, seqlen, _D), jnp.float32),
        mesh=mesh,
        compiler_params=pltpu.CompilerParams(use_tc_tiling_on_sc=False),
        scratch_types=[
            pltpu.VMEM((_NB, seqlen), jnp.int32),
            pltpu.VMEM((_NB, seqlen), jnp.int32),
            pltpu.VMEM((_NB, seqlen, _D), jnp.float32),
            pltpu.VMEM((_NB, seqlen, _D), jnp.float32),
            pltpu.SemaphoreType.DMA,
            pltpu.SemaphoreType.DMA,
            pltpu.SemaphoreType.DMA,
        ],
    )
    def gather_kernel(table_hbm, idx_hbm, out_hbm,
                      idx0, idx1, rows0, rows1, gsem, osem0, osem1):
        wid = lax.axis_index("s") * _NC + lax.axis_index("c")
        row0 = wid * rows_per_w
        bufs = ((idx0, rows0, osem0), (idx1, rows1, osem1))

        def idx_copy(idx_v, c):
            pltpu.sync_copy(idx_hbm.at[pl.ds(row0 + c * _NB, _NB)], idx_v)

        def run_gathers(idx_v, rows_v):
            cps = []
            for i in range(_NB):
                cps.append(
                    pltpu.async_copy(
                        table_hbm.at[idx_v.at[i]], rows_v.at[i], gsem))
            for cp in cps:
                cp.wait()

        def out_slice(c):
            return out_hbm.at[pl.ds(row0 + c * _NB, _NB)]

        for b in range(2):
            idx_v, rows_v, osem = bufs[b]
            idx_copy(idx_v, b)
            run_gathers(idx_v, rows_v)
            pltpu.async_copy(rows_v, out_slice(b), osem)

        def pair(g, carry):
            for b in range(2):
                idx_v, rows_v, osem = bufs[b]
                c = 2 * g + b
                idx_copy(idx_v, c)
                pltpu.make_async_copy(rows_v, out_slice(c - 2), osem).wait()
                run_gathers(idx_v, rows_v)
                pltpu.async_copy(rows_v, out_slice(c), osem)
            return carry

        lax.fori_loop(1, n_pairs, pair, 0)

        for b in range(2):
            idx_v, rows_v, osem = bufs[b]
            pltpu.make_async_copy(rows_v, out_slice(n_chunks - 2 + b),
                                  osem).wait()

    return gather_kernel


def kernel(indices, weight):
    batch, seqlen = indices.shape
    return _make_gather(batch, seqlen)(weight, indices)

# --- scband reference (transcript-rebuilt; emitter-appended) ---
"""Pipeline reference for scband-box-geometry-denoiser-1211180777487 (READ-ONLY COPY).

The authoritative reference and input builder live on the scoring server;
editing this copy changes nothing except your own understanding.
"""

import jax, jax.numpy as jnp
import numpy as np

NUM_CLASSES = 1000000
EMBED_DIM = 32


def setup_inputs(seed: int = 0) -> dict:
    key = jax.random.key(seed)
    k1, k2 = jax.random.split(key)
    # Learned embedding table: rows [0, NUM_CLASSES) ~ N(0,1), padding row (last) is zeros,
    # matching nn.Embedding(num_classes + 1, dim, padding_idx=num_classes) with
    # nn.init.normal_(weight[:-1]).
    weight = jax.random.normal(k1, (NUM_CLASSES + 1, EMBED_DIM), dtype=jnp.float32)
    weight = weight.at[NUM_CLASSES].set(0.0)
    indices = jax.random.randint(k2, (4096, 200), 0, NUM_CLASSES + 1, dtype=jnp.int32)
    return {"indices": indices, "weight": weight}


def reference(indices, weight):
    # Faithful to padding_idx semantics: the padding row is forced to zero.
    w = weight.at[NUM_CLASSES].set(jnp.zeros((EMBED_DIM,), dtype=weight.dtype))
    return jnp.take(w, indices, axis=0)

if __name__ == "__main__":
    import jax
    _d = setup_inputs()
    print(jax.jit(kernel)(*tuple(_d.values())))

</pallas_src>

<mosaic_0001>
#map = affine_map<(d0, d1) -> (0, 0)>
#map1 = affine_map<(d0, d1) -> (0, 0, 0)>
module attributes {stable_mosaic.version = 14 : i64} {
  func.func @gather_kernel(%arg0: i32, %arg1: i32, %arg2: memref<1000001x32xf32, #tpu.memory_space<hbm>>, %arg3: memref<4096x200xi32, #tpu.memory_space<hbm>>, %arg4: memref<4096x200x32xf32, #tpu.memory_space<hbm>>, %arg5: memref<8x200xi32, #tpu.memory_space<vmem>>, %arg6: memref<8x200xi32, #tpu.memory_space<vmem>>, %arg7: memref<8x200x32xf32, #tpu.memory_space<vmem>>, %arg8: memref<8x200x32xf32, #tpu.memory_space<vmem>>, %arg9: memref<!tpu.dma_semaphore, #tpu.memory_space<semaphore_mem>>, %arg10: memref<!tpu.dma_semaphore, #tpu.memory_space<semaphore_mem>>, %arg11: memref<!tpu.dma_semaphore, #tpu.memory_space<semaphore_mem>>) attributes {dimension_semantics = [#tpu.dimension_semantics<core_parallel>, #tpu.dimension_semantics<subcore_parallel>], iteration_bounds = array<i64: 2, 16>, scalar_prefetch = 0 : i64, scratch_operands = 7 : i64, tpu.core_type = #tpu.core_type<sc_vector_subcore>, window_params = [{transform_indices = #map}, {transform_indices = #map}, {transform_indices = #map1}]} {
    %mul3A = arith.constant 2 : i32
    %mul3A_0 = arith.muli %arg1, %mul3A : i32
    %add3A = arith.addi %mul3A_0, %arg0 : i32
    %mul3A_1 = arith.constant 128 : i32
    %mul3A_2 = arith.muli %add3A, %mul3A_1 : i32
    %add3A_3 = arith.constant 0 : i32
    %add3A_4 = arith.addi %mul3A_2, %add3A_3 : i32
    "tpu.region"() ({
      %run_scoped3A = tpu.sem_alloc : memref<!tpu.dma_semaphore, #tpu.memory_space<semaphore_mem>>
      %dma_start3A_426 = arith.constant 0 : i32
      %dma_start3A_427 = tpu.memref_slice %arg3[%add3A_4, %dma_start3A_426] : memref<4096x200xi32, #tpu.memory_space<hbm>> -> memref<8x200xi32, #tpu.memory_space<hbm>>
      %dma_start3A_428 = arith.constant 0 : i32
      %dma_start3A_429 = tpu.memref_slice %arg3[%add3A_4, %dma_start3A_428] : memref<4096x200xi32, #tpu.memory_space<hbm>> -> memref<8x200xi32, #tpu.memory_space<hbm>>
      tpu.enqueue_dma source(%dma_start3A_429 : memref<8x200xi32, #tpu.memory_space<hbm>>) target(%arg5 : memref<8x200xi32, #tpu.memory_space<vmem>>) target_semaphore(%run_scoped3A : memref<!tpu.dma_semaphore, #tpu.memory_space<semaphore_mem>>)
      %dma_wait3A_430 = arith.constant 0 : i32
      %dma_wait3A_431 = tpu.memref_slice %arg3[%add3A_4, %dma_wait3A_430] : memref<4096x200xi32, #tpu.memory_space<hbm>> -> memref<8x200xi32, #tpu.memory_space<hbm>>
      %dma_wait3A_432 = arith.constant 0 : i32
      %dma_wait3A_433 = tpu.memref_slice %arg3[%add3A_4, %dma_wait3A_432] : memref<4096x200xi32, #tpu.memory_space<hbm>> -> memref<8x200xi32, #tpu.memory_space<hbm>>
      tpu.wait_dma2 semaphore(%run_scoped3A : memref<!tpu.dma_semaphore, #tpu.memory_space<semaphore_mem>>) src(%dma_wait3A_433 : memref<8x200xi32, #tpu.memory_space<hbm>>) dst(%arg5 : memref<8x200xi32, #tpu.memory_space<vmem>>)
      tpu.yield
    }) : () -> ()
    %dma_start3A = arith.constant 0 : i32
    %dma_start3A_5 = arith.constant 0 : i32
    %dma_start3A_6 = arith.constant 0 : i32
    %dma_start3A_7 = arith.constant 0 : i32
    %dma_start3A_8 = tpu.memref_slice %arg7[%dma_start3A_5, %dma_start3A_6, %dma_start3A_7] : memref<8x200x32xf32, #tpu.memory_space<vmem>> -> memref<1x200x32xf32, #tpu.memory_space<vmem>>
    %dma_start3A_9 = tpu.memref_squeeze %dma_start3A_8 : memref<1x200x32xf32, #tpu.memory_space<vmem>> -> memref<200x32xf32, #tpu.memory_space<vmem>>
    %dma_start3A_10 = arith.constant 0 : i32
    %dma_start3A_11 = tpu.memref_slice %arg5[%dma_start3A, %dma_start3A_10] : memref<8x200xi32, #tpu.memory_space<vmem>> -> memref<1x200xi32, #tpu.memory_space<vmem>>
    %dma_start3A_12 = tpu.memref_squeeze %dma_start3A_11 : memref<1x200xi32, #tpu.memory_space<vmem>> -> memref<200xi32, #tpu.memory_space<vmem>>
    %dma_start3A_13 = arith.constant 0 : i32
    %dma_start3A_14 = arith.constant 0 : i32
    %dma_start3A_15 = tpu.memref_slice %arg2[%dma_start3A_13, %dma_start3A_14] : memref<1000001x32xf32, #tpu.memory_space<hbm>> -> memref<1000001x32xf32, #tpu.memory_space<hbm>>
    tpu.enqueue_indirect_dma source(%dma_start3A_15 : memref<1000001x32xf32, #tpu.memory_space<hbm>>) target(%dma_start3A_9 : memref<200x32xf32, #tpu.memory_space<vmem>>) offsets(%dma_start3A_12 : memref<200xi32, #tpu.memory_space<vmem>>) semaphore(%arg9 : memref<!tpu.dma_semaphore, #tpu.memory_space<semaphore_mem>>)
    %dma_start3A_16 = arith.constant 1 : i32
    %dma_start3A_17 = arith.constant 1 : i32
    %dma_start3A_18 = arith.constant 0 : i32
    %dma_start3A_19 = arith.constant 0 : i32
    %dma_start3A_20 = tpu.memref_slice %arg7[%dma_start3A_17, %dma_start3A_18, %dma_start3A_19] : memref<8x200x32xf32, #tpu.memory_space<vmem>> -> memref<1x200x32xf32, #tpu.memory_space<vmem>>
    %dma_start3A_21 = tpu.memref_squeeze %dma_start3A_20 : memref<1x200x32xf32, #tpu.memory_space<vmem>> -> memref<200x32xf32, #tpu.memory_space<vmem>>
    %dma_start3A_22 = arith.constant 0 : i32
    %dma_start3A_23 = tpu.memref_slice %arg5[%dma_start3A_16, %dma_start3A_22] : memref<8x200xi32, #tpu.memory_space<vmem>> -> memref<1x200xi32, #tpu.memory_space<vmem>>
    %dma_start3A_24 = tpu.memref_squeeze %dma_start3A_23 : memref<1x200xi32, #tpu.memory_space<vmem>> -> memref<200xi32, #tpu.memory_space<vmem>>
    %dma_start3A_25 = arith.constant 0 : i32
    %dma_start3A_26 = arith.constant 0 : i32
    %dma_start3A_27 = tpu.memref_slice %arg2[%dma_start3A_25, %dma_start3A_26] : memref<1000001x32xf32, #tpu.memory_space<hbm>> -> memref<1000001x32xf32, #tpu.memory_space<hbm>>
    tpu.enqueue_indirect_dma source(%dma_start3A_27 : memref<1000001x32xf32, #tpu.memory_space<hbm>>) target(%dma_start3A_21 : memref<200x32xf32, #tpu.memory_space<vmem>>) offsets(%dma_start3A_24 : memref<200xi32, #tpu.memory_space<vmem>>) semaphore(%arg9 : memref<!tpu.dma_semaphore, #tpu.memory_space<semaphore_mem>>)
    %dma_start3A_28 = arith.constant 2 : i32
    %dma_start3A_29 = arith.constant 2 : i32
    %dma_start3A_30 = arith.constant 0 : i32
    %dma_start3A_31 = arith.constant 0 : i32
    %dma_start3A_32 = tpu.memref_slice %arg7[%dma_start3A_29, %dma_start3A_30, %dma_start3A_31] : memref<8x200x32xf32, #tpu.memory_space<vmem>> -> memref<1x200x32xf32, #tpu.memory_space<vmem>>
    %dma_start3A_33 = tpu.memref_squeeze %dma_start3A_32 : memref<1x200x32xf32, #tpu.memory_space<vmem>> -> memref<200x32xf32, #tpu.memory_space<vmem>>
    %dma_start3A_34 = arith.constant 0 : i32
    %dma_start3A_35 = tpu.memref_slice %arg5[%dma_start3A_28, %dma_start3A_34] : memref<8x200xi32, #tpu.memory_space<vmem>> -> memref<1x200xi32, #tpu.memory_space<vmem>>
    %dma_start3A_36 = tpu.memref_squeeze %dma_start3A_35 : memref<1x200xi32, #tpu.memory_space<vmem>> -> memref<200xi32, #tpu.memory_space<vmem>>
    %dma_start3A_37 = arith.constant 0 : i32
    %dma_start3A_38 = arith.constant 0 : i32
    %dma_start3A_39 = tpu.memref_slice %arg2[%dma_start3A_37, %dma_start3A_38] : memref<1000001x32xf32, #tpu.memory_space<hbm>> -> memref<1000001x32xf32, #tpu.memory_space<hbm>>
    tpu.enqueue_indirect_dma source(%dma_start3A_39 : memref<1000001x32xf32, #tpu.memory_space<hbm>>) target(%dma_start3A_33 : memref<200x32xf32, #tpu.memory_space<vmem>>) offsets(%dma_start3A_36 : memref<200xi32, #tpu.memory_space<vmem>>) semaphore(%arg9 : memref<!tpu.dma_semaphore, #tpu.memory_space<semaphore_mem>>)
    %dma_start3A_40 = arith.constant 3 : i32
    %dma_start3A_41 = arith.constant 3 : i32
    %dma_start3A_42 = arith.constant 0 : i32
    %dma_start3A_43 = arith.constant 0 : i32
    %dma_start3A_44 = tpu.memref_slice %arg7[%dma_start3A_41, %dma_start3A_42, %dma_start3A_43] : memref<8x200x32xf32, #tpu.memory_space<vmem>> -> memref<1x200x32xf32, #tpu.memory_space<vmem>>
    %dma_start3A_45 = tpu.memref_squeeze %dma_start3A_44 : memref<1x200x32xf32, #tpu.memory_space<vmem>> -> memref<200x32xf32, #tpu.memory_space<vmem>>
    %dma_start3A_46 = arith.constant 0 : i32
    %dma_start3A_47 = tpu.memref_slice %arg5[%dma_start3A_40, %dma_start3A_46] : memref<8x200xi32, #tpu.memory_space<vmem>> -> memref<1x200xi32, #tpu.memory_space<vmem>>
    %dma_start3A_48 = tpu.memref_squeeze %dma_start3A_47 : memref<1x200xi32, #tpu.memory_space<vmem>> -> memref<200xi32, #tpu.memory_space<vmem>>
    %dma_start3A_49 = arith.constant 0 : i32
    %dma_start3A_50 = arith.constant 0 : i32
    %dma_start3A_51 = tpu.memref_slice %arg2[%dma_start3A_49, %dma_start3A_50] : memref<1000001x32xf32, #tpu.memory_space<hbm>> -> memref<1000001x32xf32, #tpu.memory_space<hbm>>
    tpu.enqueue_indirect_dma source(%dma_start3A_51 : memref<1000001x32xf32, #tpu.memory_space<hbm>>) target(%dma_start3A_45 : memref<200x32xf32, #tpu.memory_space<vmem>>) offsets(%dma_start3A_48 : memref<200xi32, #tpu.memory_space<vmem>>) semaphore(%arg9 : memref<!tpu.dma_semaphore, #tpu.memory_space<semaphore_mem>>)
    %dma_start3A_52 = arith.constant 4 : i32
    %dma_start3A_53 = arith.constant 4 : i32
    %dma_start3A_54 = arith.constant 0 : i32
    %dma_start3A_55 = arith.constant 0 : i32
    %dma_start3A_56 = tpu.memref_slice %arg7[%dma_start3A_53, %dma_start3A_54, %dma_start3A_55] : memref<8x200x32xf32, #tpu.memory_space<vmem>> -> memref<1x200x32xf32, #tpu.memory_space<vmem>>
    %dma_start3A_57 = tpu.memref_squeeze %dma_start3A_56 : memref<1x200x32xf32, #tpu.memory_space<vmem>> -> memref<200x32xf32, #tpu.memory_space<vmem>>
    %dma_start3A_58 = arith.constant 0 : i32
    %dma_start3A_59 = tpu.memref_slice %arg5[%dma_start3A_52, %dma_start3A_58] : memref<8x200xi32, #tpu.memory_space<vmem>> -> memref<1x200xi32, #tpu.memory_space<vmem>>
    %dma_start3A_60 = tpu.memref_squeeze %dma_start3A_59 : memref<1x200xi32, #tpu.memory_space<vmem>> -> memref<200xi32, #tpu.memory_space<vmem>>
    %dma_start3A_61 = arith.constant 0 : i32
    %dma_start3A_62 = arith.constant 0 : i32
    %dma_start3A_63 = tpu.memref_slice %arg2[%dma_start3A_61, %dma_start3A_62] : memref<1000001x32xf32, #tpu.memory_space<hbm>> -> memref<1000001x32xf32, #tpu.memory_space<hbm>>
    tpu.enqueue_indirect_dma source(%dma_start3A_63 : memref<1000001x32xf32, #tpu.memory_space<hbm>>) target(%dma_start3A_57 : memref<200x32xf32, #tpu.memory_space<vmem>>) offsets(%dma_start3A_60 : memref<200xi32, #tpu.memory_space<vmem>>) semaphore(%arg9 : memref<!tpu.dma_semaphore, #tpu.memory_space<semaphore_mem>>)
    %dma_start3A_64 = arith.constant 5 : i32
    %dma_start3A_65 = arith.constant 5 : i32
    %dma_start3A_66 = arith.constant 0 : i32
    %dma_start3A_67 = arith.constant 0 : i32
    %dma_start3A_68 = tpu.memref_slice %arg7[%dma_start3A_65, %dma_start3A_66, %dma_start3A_67] : memref<8x200x32xf32, #tpu.memory_space<vmem>> -> memref<1x200x32xf32, #tpu.memory_space<vmem>>
    %dma_start3A_69 = tpu.memref_squeeze %dma_start3A_68 : memref<1x200x32xf32, #tpu.memory_space<vmem>> -> memref<200x32xf32, #tpu.memory_space<vmem>>
    %dma_start3A_70 = arith.constant 0 : i32
    %dma_start3A_71 = tpu.memref_slice %arg5[%dma_start3A_64, %dma_start3A_70] : memref<8x200xi32, #tpu.memory_space<vmem>> -> memref<1x200xi32, #tpu.memory_space<vmem>>
    %dma_start3A_72 = tpu.memref_squeeze %dma_start3A_71 : memref<1x200xi32, #tpu.memory_space<vmem>> -> memref<200xi32, #tpu.memory_space<vmem>>
    %dma_start3A_73 = arith.constant 0 : i32
    %dma_start3A_74 = arith.constant 0 : i32
    %dma_start3A_75 = tpu.memref_slice %arg2[%dma_start3A_73, %dma_start3A_74] : memref<1000001x32xf32, #tpu.memory_space<hbm>> -> memref<1000001x32xf32, #tpu.memory_space<hbm>>
    tpu.enqueue_indirect_dma source(%dma_start3A_75 : memref<1000001x32xf32, #tpu.memory_space<hbm>>) target(%dma_start3A_69 : memref<200x32xf32, #tpu.memory_space<vmem>>) offsets(%dma_start3A_72 : memref<200xi32, #tpu.memory_space<vmem>>) semaphore(%arg9 : memref<!tpu.dma_semaphore, #tpu.memory_space<semaphore_mem>>)
    %dma_start3A_76 = arith.constant 6 : i32
    %dma_start3A_77 = arith.constant 6 : i32
    %dma_start3A_78 = arith.constant 0 : i32
    %dma_start3A_79 = arith.constant 0 : i32
    %dma_start3A_80 = tpu.memref_slice %arg7[%dma_start3A_77, %dma_start3A_78, %dma_start3A_79] : memref<8x200x32xf32, #tpu.memory_space<vmem>> -> memref<1x200x32xf32, #tpu.memory_space<vmem>>
    %dma_start3A_81 = tpu.memref_squeeze %dma_start3A_80 : memref<1x200x32xf32, #tpu.memory_space<vmem>> -> memref<200x32xf32, #tpu.memory_space<vmem>>
    %dma_start3A_82 = arith.constant 0 : i32
    %dma_start3A_83 = tpu.memref_slice %arg5[%dma_start3A_76, %dma_start3A_82] : memref<8x200xi32, #tpu.memory_space<vmem>> -> memref<1x200xi32, #tpu.memory_space<vmem>>
    %dma_start3A_84 = tpu.memref_squeeze %dma_start3A_83 : memref<1x200xi32, #tpu.memory_space<vmem>> -> memref<200xi32, #tpu.memory_space<vmem>>
    %dma_start3A_85 = arith.constant 0 : i32
    %dma_start3A_86 = arith.constant 0 : i32
    %dma_start3A_87 = tpu.memref_slice %arg2[%dma_start3A_85, %dma_start3A_86] : memref<1000001x32xf32, #tpu.memory_space<hbm>> -> memref<1000001x32xf32, #tpu.memory_space<hbm>>
    tpu.enqueue_indirect_dma source(%dma_start3A_87 : memref<1000001x32xf32, #tpu.memory_space<hbm>>) target(%dma_start3A_81 : memref<200x32xf32, #tpu.memory_space<vmem>>) offsets(%dma_start3A_84 : memref<200xi32, #tpu.memory_space<vmem>>) semaphore(%arg9 : memref<!tpu.dma_semaphore, #tpu.memory_space<semaphore_mem>>)
    %dma_start3A_88 = arith.constant 7 : i32
    %dma_start3A_89 = arith.constant 7 : i32
    %dma_start3A_90 = arith.constant 0 : i32
    %dma_start3A_91 = arith.constant 0 : i32
    %dma_start3A_92 = tpu.memref_slice %arg7[%dma_start3A_89, %dma_start3A_90, %dma_start3A_91] : memref<8x200x32xf32, #tpu.memory_space<vmem>> -> memref<1x200x32xf32, #tpu.memory_space<vmem>>
    %dma_start3A_93 = tpu.memref_squeeze %dma_start3A_92 : memref<1x200x32xf32, #tpu.memory_space<vmem>> -> memref<200x32xf32, #tpu.memory_space<vmem>>
    %dma_start3A_94 = arith.constant 0 : i32
    %dma_start3A_95 = tpu.memref_slice %arg5[%dma_start3A_88, %dma_start3A_94] : memref<8x200xi32, #tpu.memory_space<vmem>> -> memref<1x200xi32, #tpu.memory_space<vmem>>
    %dma_start3A_96 = tpu.memref_squeeze %dma_start3A_95 : memref<1x200xi32, #tpu.memory_space<vmem>> -> memref<200xi32, #tpu.memory_space<vmem>>
    %dma_start3A_97 = arith.constant 0 : i32
    %dma_start3A_98 = arith.constant 0 : i32
    %dma_start3A_99 = tpu.memref_slice %arg2[%dma_start3A_97, %dma_start3A_98] : memref<1000001x32xf32, #tpu.memory_space<hbm>> -> memref<1000001x32xf32, #tpu.memory_space<hbm>>
    tpu.enqueue_indirect_dma source(%dma_start3A_99 : memref<1000001x32xf32, #tpu.memory_space<hbm>>) target(%dma_start3A_93 : memref<200x32xf32, #tpu.memory_space<vmem>>) offsets(%dma_start3A_96 : memref<200xi32, #tpu.memory_space<vmem>>) semaphore(%arg9 : memref<!tpu.dma_semaphore, #tpu.memory_space<semaphore_mem>>)
    %dma_wait3A = arith.constant 0 : i32
    %dma_wait3A_100 = arith.constant 0 : i32
    %dma_wait3A_101 = arith.constant 0 : i32
    %dma_wait3A_102 = arith.constant 0 : i32
    %dma_wait3A_103 = tpu.memref_slice %arg7[%dma_wait3A_100, %dma_wait3A_101, %dma_wait3A_102] : memref<8x200x32xf32, #tpu.memory_space<vmem>> -> memref<1x200x32xf32, #tpu.memory_space<vmem>>
    %dma_wait3A_104 = tpu.memref_squeeze %dma_wait3A_103 : memref<1x200x32xf32, #tpu.memory_space<vmem>> -> memref<200x32xf32, #tpu.memory_space<vmem>>
    %dma_wait3A_105 = arith.constant 0 : i32
    %dma_wait3A_106 = tpu.memref_slice %arg5[%dma_wait3A, %dma_wait3A_105] : memref<8x200xi32, #tpu.memory_space<vmem>> -> memref<1x200xi32, #tpu.memory_space<vmem>>
    %dma_wait3A_107 = tpu.memref_squeeze %dma_wait3A_106 : memref<1x200xi32, #tpu.memory_space<vmem>> -> memref<200xi32, #tpu.memory_space<vmem>>
    %dma_wait3A_108 = arith.constant 0 : i32
    %dma_wait3A_109 = arith.constant 0 : i32
    %dma_wait3A_110 = tpu.memref_slice %arg2[%dma_wait3A_108, %dma_wait3A_109] : memref<1000001x32xf32, #tpu.memory_space<hbm>> -> memref<1000001x32xf32, #tpu.memory_space<hbm>>
    tpu.wait_indirect_dma semaphore(%arg9 : memref<!tpu.dma_semaphore, #tpu.memory_space<semaphore_mem>>) src(%dma_wait3A_110 : memref<1000001x32xf32, #tpu.memory_space<hbm>>) dst(%dma_wait3A_104 : memref<200x32xf32, #tpu.memory_space<vmem>>)
    %dma_wait3A_111 = arith.constant 1 : i32
    %dma_wait3A_112 = arith.constant 1 : i32
    %dma_wait3A_113 = arith.constant 0 : i32
    %dma_wait3A_114 = arith.constant 0 : i32
    %dma_wait3A_115 = tpu.memref_slice %arg7[%dma_wait3A_112, %dma_wait3A_113, %dma_wait3A_114] : memref<8x200x32xf32, #tpu.memory_space<vmem>> -> memref<1x200x32xf32, #tpu.memory_space<vmem>>
    %dma_wait3A_116 = tpu.memref_squeeze %dma_wait3A_115 : memref<1x200x32xf32, #tpu.memory_space<vmem>> -> memref<200x32xf32, #tpu.memory_space<vmem>>
    %dma_wait3A_117 = arith.constant 0 : i32
    %dma_wait3A_118 = tpu.memref_slice %arg5[%dma_wait3A_111, %dma_wait3A_117] : memref<8x200xi32, #tpu.memory_space<vmem>> -> memref<1x200xi32, #tpu.memory_space<vmem>>
    %dma_wait3A_119 = tpu.memref_squeeze %dma_wait3A_118 : memref<1x200xi32, #tpu.memory_space<vmem>> -> memref<200xi32, #tpu.memory_space<vmem>>
    %dma_wait3A_120 = arith.constant 0 : i32
    %dma_wait3A_121 = arith.constant 0 : i32
    %dma_wait3A_122 = tpu.memref_slice %arg2[%dma_wait3A_120, %dma_wait3A_121] : memref<1000001x32xf32, #tpu.memory_space<hbm>> -> memref<1000001x32xf32, #tpu.memory_space<hbm>>
    tpu.wait_indirect_dma semaphore(%arg9 : memref<!tpu.dma_semaphore, #tpu.memory_space<semaphore_mem>>) src(%dma_wait3A_122 : memref<1000001x32xf32, #tpu.memory_space<hbm>>) dst(%dma_wait3A_116 : memref<200x32xf32, #tpu.memory_space<vmem>>)
    %dma_wait3A_123 = arith.constant 2 : i32
    %dma_wait3A_124 = arith.constant 2 : i32
    %dma_wait3A_125 = arith.constant 0 : i32
    %dma_wait3A_126 = arith.constant 0 : i32
    %dma_wait3A_127 = tpu.memref_slice %arg7[%dma_wait3A_124, %dma_wait3A_125, %dma_wait3A_126] : memref<8x200x32xf32, #tpu.memory_space<vmem>> -> memref<1x200x32xf32, #tpu.memory_space<vmem>>
    %dma_wait3A_128 = tpu.memref_squeeze %dma_wait3A_127 : memref<1x200x32xf32, #tpu.memory_space<vmem>> -> memref<200x32xf32, #tpu.memory_space<vmem>>
    %dma_wait3A_129 = arith.constant 0 : i32
    %dma_wait3A_130 = tpu.memref_slice %arg5[%dma_wait3A_123, %dma_wait3A_129] : memref<8x200xi32, #tpu.memory_space<vmem>> -> memref<1x200xi32, #tpu.memory_space<vmem>>
    %dma_wait3A_131 = tpu.memref_squeeze %dma_wait3A_130 : memref<1x200xi32, #tpu.memory_space<vmem>> -> memref<200xi32, #tpu.memory_space<vmem>>
    %dma_wait3A_132 = arith.constant 0 : i32
    %dma_wait3A_133 = arith.constant 0 : i32
    %dma_wait3A_134 = tpu.memref_slice %arg2[%dma_wait3A_132, %dma_wait3A_133] : memref<1000001x32xf32, #tpu.memory_space<hbm>> -> memref<1000001x32xf32, #tpu.memory_space<hbm>>
    tpu.wait_indirect_dma semaphore(%arg9 : memref<!tpu.dma_semaphore, #tpu.memory_space<semaphore_mem>>) src(%dma_wait3A_134 : memref<1000001x32xf32, #tpu.memory_space<hbm>>) dst(%dma_wait3A_128 : memref<200x32xf32, #tpu.memory_space<vmem>>)
    %dma_wait3A_135 = arith.constant 3 : i32
    %dma_wait3A_136 = arith.constant 3 : i32
    %dma_wait3A_137 = arith.constant 0 : i32
    %dma_wait3A_138 = arith.constant 0 : i32
    %dma_wait3A_139 = tpu.memref_slice %arg7[%dma_wait3A_136, %dma_wait3A_137, %dma_wait3A_138] : memref<8x200x32xf32, #tpu.memory_space<vmem>> -> memref<1x200x32xf32, #tpu.memory_space<vmem>>
    %dma_wait3A_140 = tpu.memref_squeeze %dma_wait3A_139 : memref<1x200x32xf32, #tpu.memory_space<vmem>> -> memref<200x32xf32, #tpu.memory_space<vmem>>
    %dma_wait3A_141 = arith.constant 0 : i32
    %dma_wait3A_142 = tpu.memref_slice %arg5[%dma_wait3A_135, %dma_wait3A_141] : memref<8x200xi32, #tpu.memory_space<vmem>> -> memref<1x200xi32, #tpu.memory_space<vmem>>
    %dma_wait3A_143 = tpu.memref_squeeze %dma_wait3A_142 : memref<1x200xi32, #tpu.memory_space<vmem>> -> memref<200xi32, #tpu.memory_space<vmem>>
    %dma_wait3A_144 = arith.constant 0 : i32
    %dma_wait3A_145 = arith.constant 0 : i32
    %dma_wait3A_146 = tpu.memref_slice %arg2[%dma_wait3A_144, %dma_wait3A_145] : memref<1000001x32xf32, #tpu.memory_space<hbm>> -> memref<1000001x32xf32, #tpu.memory_space<hbm>>
    tpu.wait_indirect_dma semaphore(%arg9 : memref<!tpu.dma_semaphore, #tpu.memory_space<semaphore_mem>>) src(%dma_wait3A_146 : memref<1000001x32xf32, #tpu.memory_space<hbm>>) dst(%dma_wait3A_140 : memref<200x32xf32, #tpu.memory_space<vmem>>)
    %dma_wait3A_147 = arith.constant 4 : i32
    %dma_wait3A_148 = arith.constant 4 : i32
    %dma_wait3A_149 = arith.constant 0 : i32
    %dma_wait3A_150 = arith.constant 0 : i32
    %dma_wait3A_151 = tpu.memref_slice %arg7[%dma_wait3A_148, %dma_wait3A_149, %dma_wait3A_150] : memref<8x200x32xf32, #tpu.memory_space<vmem>> -> memref<1x200x32xf32, #tpu.memory_space<vmem>>
    %dma_wait3A_152 = tpu.memref_squeeze %dma_wait3A_151 : memref<1x200x32xf32, #tpu.memory_space<vmem>> -> memref<200x32xf32, #tpu.memory_space<vmem>>
    %dma_wait3A_153 = arith.constant 0 : i32
    %dma_wait3A_154 = tpu.memref_slice %arg5[%dma_wait3A_147, %dma_wait3A_153] : memref<8x200xi32, #tpu.memory_space<vmem>> -> memref<1x200xi32, #tpu.memory_space<vmem>>
    %dma_wait3A_155 = tpu.memref_squeeze %dma_wait3A_154 : memref<1x200xi32, #tpu.memory_space<vmem>> -> memref<200xi32, #tpu.memory_space<vmem>>
    %dma_wait3A_156 = arith.constant 0 : i32
    %dma_wait3A_157 = arith.constant 0 : i32
    %dma_wait3A_158 = tpu.memref_slice %arg2[%dma_wait3A_156, %dma_wait3A_157] : memref<1000001x32xf32, #tpu.memory_space<hbm>> -> memref<1000001x32xf32, #tpu.memory_space<hbm>>
    tpu.wait_indirect_dma semaphore(%arg9 : memref<!tpu.dma_semaphore, #tpu.memory_space<semaphore_mem>>) src(%dma_wait3A_158 : memref<1000001x32xf32, #tpu.memory_space<hbm>>) dst(%dma_wait3A_152 : memref<200x32xf32, #tpu.memory_space<vmem>>)
    %dma_wait3A_159 = arith.constant 5 : i32
    %dma_wait3A_160 = arith.constant 5 : i32
    %dma_wait3A_161 = arith.constant 0 : i32
    %dma_wait3A_162 = arith.constant 0 : i32
    %dma_wait3A_163 = tpu.memref_slice %arg7[%dma_wait3A_160, %dma_wait3A_161, %dma_wait3A_162] : memref<8x200x32xf32, #tpu.memory_space<vmem>> -> memref<1x200x32xf32, #tpu.memory_space<vmem>>
    %dma_wait3A_164 = tpu.memref_squeeze %dma_wait3A_163 : memref<1x200x32xf32, #tpu.memory_space<vmem>> -> memref<200x32xf32, #tpu.memory_space<vmem>>
    %dma_wait3A_165 = arith.constant 0 : i32
    %dma_wait3A_166 = tpu.memref_slice %arg5[%dma_wait3A_159, %dma_wait3A_165] : memref<8x200xi32, #tpu.memory_space<vmem>> -> memref<1x200xi32, #tpu.memory_space<vmem>>
    %dma_wait3A_167 = tpu.memref_squeeze %dma_wait3A_166 : memref<1x200xi32, #tpu.memory_space<vmem>> -> memref<200xi32, #tpu.memory_space<vmem>>
    %dma_wait3A_168 = arith.constant 0 : i32
    %dma_wait3A_169 = arith.constant 0 : i32
    %dma_wait3A_170 = tpu.memref_slice %arg2[%dma_wait3A_168, %dma_wait3A_169] : memref<1000001x32xf32, #tpu.memory_space<hbm>> -> memref<1000001x32xf32, #tpu.memory_space<hbm>>
    tpu.wait_indirect_dma semaphore(%arg9 : memref<!tpu.dma_semaphore, #tpu.memory_space<semaphore_mem>>) src(%dma_wait3A_170 : memref<1000001x32xf32, #tpu.memory_space<hbm>>) dst(%dma_wait3A_164 : memref<200x32xf32, #tpu.memory_space<vmem>>)
    %dma_wait3A_171 = arith.constant 6 : i32
    %dma_wait3A_172 = arith.constant 6 : i32
    %dma_wait3A_173 = arith.constant 0 : i32
    %dma_wait3A_174 = arith.constant 0 : i32
    %dma_wait3A_175 = tpu.memref_slice %arg7[%dma_wait3A_172, %dma_wait3A_173, %dma_wait3A_174] : memref<8x200x32xf32, #tpu.memory_space<vmem>> -> memref<1x200x32xf32, #tpu.memory_space<vmem>>
    %dma_wait3A_176 = tpu.memref_squeeze %dma_wait3A_175 : memref<1x200x32xf32, #tpu.memory_space<vmem>> -> memref<200x32xf32, #tpu.memory_space<vmem>>
    %dma_wait3A_177 = arith.constant 0 : i32
    %dma_wait3A_178 = tpu.memref_slice %arg5[%dma_wait3A_171, %dma_wait3A_177] : memref<8x200xi32, #tpu.memory_space<vmem>> -> memref<1x200xi32, #tpu.memory_space<vmem>>
    %dma_wait3A_179 = tpu.memref_squeeze %dma_wait3A_178 : memref<1x200xi32, #tpu.memory_space<vmem>> -> memref<200xi32, #tpu.memory_space<vmem>>
    %dma_wait3A_180 = arith.constant 0 : i32
    %dma_wait3A_181 = arith.constant 0 : i32
    %dma_wait3A_182 = tpu.memref_slice %arg2[%dma_wait3A_180, %dma_wait3A_181] : memref<1000001x32xf32, #tpu.memory_space<hbm>> -> memref<1000001x32xf32, #tpu.memory_space<hbm>>
    tpu.wait_indirect_dma semaphore(%arg9 : memref<!tpu.dma_semaphore, #tpu.memory_space<semaphore_mem>>) src(%dma_wait3A_182 : memref<1000001x32xf32, #tpu.memory_space<hbm>>) dst(%dma_wait3A_176 : memref<200x32xf32, #tpu.memory_space<vmem>>)
    %dma_wait3A_183 = arith.constant 7 : i32
    %dma_wait3A_184 = arith.constant 7 : i32
    %dma_wait3A_185 = arith.constant 0 : i32
    %dma_wait3A_186 = arith.constant 0 : i32
    %dma_wait3A_187 = tpu.memref_slice %arg7[%dma_wait3A_184, %dma_wait3A_185, %dma_wait3A_186] : memref<8x200x32xf32, #tpu.memory_space<vmem>> -> memref<1x200x32xf32, #tpu.memory_space<vmem>>
    %dma_wait3A_188 = tpu.memref_squeeze %dma_wait3A_187 : memref<1x200x32xf32, #tpu.memory_space<vmem>> -> memref<200x32xf32, #tpu.memory_space<vmem>>
    %dma_wait3A_189 = arith.constant 0 : i32
    %dma_wait3A_190 = tpu.memref_slice %arg5[%dma_wait3A_183, %dma_wait3A_189] : memref<8x200xi32, #tpu.memory_space<vmem>> -> memref<1x200xi32, #tpu.memory_space<vmem>>
    %dma_wait3A_191 = tpu.memref_squeeze %dma_wait3A_190 : memref<1x200xi32, #tpu.memory_space<vmem>> -> memref<200xi32, #tpu.memory_space<vmem>>
    %dma_wait3A_192 = arith.constant 0 : i32
    %dma_wait3A_193 = arith.constant 0 : i32
    %dma_wait3A_194 = tpu.memref_slice %arg2[%dma_wait3A_192, %dma_wait3A_193] : memref<1000001x32xf32, #tpu.memory_space<hbm>> -> memref<1000001x32xf32, #tpu.memory_space<hbm>>
    tpu.wait_indirect_dma semaphore(%arg9 : memref<!tpu.dma_semaphore, #tpu.memory_space<semaphore_mem>>) src(%dma_wait3A_194 : memref<1000001x32xf32, #tpu.memory_space<hbm>>) dst(%dma_wait3A_188 : memref<200x32xf32, #tpu.memory_space<vmem>>)
    %add3A_195 = arith.constant 0 : i32
    %add3A_196 = arith.addi %mul3A_2, %add3A_195 : i32
    %dma_start3A_197 = arith.constant 0 : i32
    %dma_start3A_198 = arith.constant 0 : i32
    %dma_start3A_199 = tpu.memref_slice %arg4[%add3A_196, %dma_start3A_197, %dma_start3A_198] : memref<4096x200x32xf32, #tpu.memory_space<hbm>> -> memref<8x200x32xf32, #tpu.memory_space<hbm>>
    %dma_start3A_200 = arith.constant 0 : i32
    %dma_start3A_201 = arith.constant 0 : i32
    %dma_start3A_202 = tpu.memref_slice %arg4[%add3A_196, %dma_start3A_200, %dma_start3A_201] : memref<4096x200x32xf32, #tpu.memory_space<hbm>> -> memref<8x200x32xf32, #tpu.memory_space<hbm>>
    tpu.enqueue_dma source(%arg7 : memref<8x200x32xf32, #tpu.memory_space<vmem>>) target(%dma_start3A_202 : memref<8x200x32xf32, #tpu.memory_space<hbm>>) target_semaphore(%arg10 : memref<!tpu.dma_semaphore, #tpu.memory_space<semaphore_mem>>)
    %add3A_203 = arith.constant 8 : i32
    %add3A_204 = arith.addi %mul3A_2, %add3A_203 : i32
    "tpu.region"() ({
      %run_scoped3A = tpu.sem_alloc : memref<!tpu.dma_semaphore, #tpu.memory_space<semaphore_mem>>
      %dma_start3A_426 = arith.constant 0 : i32
      %dma_start3A_427 = tpu.memref_slice %arg3[%add3A_204, %dma_start3A_426] : memref<4096x200xi32, #tpu.memory_space<hbm>> -> memref<8x200xi32, #tpu.memory_space<hbm>>
      %dma_start3A_428 = arith.constant 0 : i32
      %dma_start3A_429 = tpu.memref_slice %arg3[%add3A_204, %dma_start3A_428] : memref<4096x200xi32, #tpu.memory_space<hbm>> -> memref<8x200xi32, #tpu.memory_space<hbm>>
      tpu.enqueue_dma source(%dma_start3A_429 : memref<8x200xi32, #tpu.memory_space<hbm>>) target(%arg6 : memref<8x200xi32, #tpu.memory_space<vmem>>) target_semaphore(%run_scoped3A : memref<!tpu.dma_semaphore, #tpu.memory_space<semaphore_mem>>)
      %dma_wait3A_430 = arith.constant 0 : i32
      %dma_wait3A_431 = tpu.memref_slice %arg3[%add3A_204, %dma_wait3A_430] : memref<4096x200xi32, #tpu.memory_space<hbm>> -> memref<8x200xi32, #tpu.memory_space<hbm>>
      %dma_wait3A_432 = arith.constant 0 : i32
      %dma_wait3A_433 = tpu.memref_slice %arg3[%add3A_204, %dma_wait3A_432] : memref<4096x200xi32, #tpu.memory_space<hbm>> -> memref<8x200xi32, #tpu.memory_space<hbm>>
      tpu.wait_dma2 semaphore(%run_scoped3A : memref<!tpu.dma_semaphore, #tpu.memory_space<semaphore_mem>>) src(%dma_wait3A_433 : memref<8x200xi32, #tpu.memory_space<hbm>>) dst(%arg6 : memref<8x200xi32, #tpu.memory_space<vmem>>)
      tpu.yield
    }) : () -> ()
    %dma_start3A_205 = arith.constant 0 : i32
    %dma_start3A_206 = arith.constant 0 : i32
    %dma_start3A_207 = arith.constant 0 : i32
    %dma_start3A_208 = arith.constant 0 : i32
    %dma_start3A_209 = tpu.memref_slice %arg8[%dma_start3A_206, %dma_start3A_207, %dma_start3A_208] : memref<8x200x32xf32, #tpu.memory_space<vmem>> -> memref<1x200x32xf32, #tpu.memory_space<vmem>>
    %dma_start3A_210 = tpu.memref_squeeze %dma_start3A_209 : memref<1x200x32xf32, #tpu.memory_space<vmem>> -> memref<200x32xf32, #tpu.memory_space<vmem>>
    %dma_start3A_211 = arith.constant 0 : i32
    %dma_start3A_212 = tpu.memref_slice %arg6[%dma_start3A_205, %dma_start3A_211] : memref<8x200xi32, #tpu.memory_space<vmem>> -> memref<1x200xi32, #tpu.memory_space<vmem>>
    %dma_start3A_213 = tpu.memref_squeeze %dma_start3A_212 : memref<1x200xi32, #tpu.memory_space<vmem>> -> memref<200xi32, #tpu.memory_space<vmem>>
    %dma_start3A_214 = arith.constant 0 : i32
    %dma_start3A_215 = arith.constant 0 : i32
    %dma_start3A_216 = tpu.memref_slice %arg2[%dma_start3A_214, %dma_start3A_215] : memref<1000001x32xf32, #tpu.memory_space<hbm>> -> memref<1000001x32xf32, #tpu.memory_space<hbm>>
    tpu.enqueue_indirect_dma source(%dma_start3A_216 : memref<1000001x32xf32, #tpu.memory_space<hbm>>) target(%dma_start3A_210 : memref<200x32xf32, #tpu.memory_space<vmem>>) offsets(%dma_start3A_213 : memref<200xi32, #tpu.memory_space<vmem>>) semaphore(%arg9 : memref<!tpu.dma_semaphore, #tpu.memory_space<semaphore_mem>>)
    %dma_start3A_217 = arith.constant 1 : i32
    %dma_start3A_218 = arith.constant 1 : i32
    %dma_start3A_219 = arith.constant 0 : i32
    %dma_start3A_220 = arith.constant 0 : i32
    %dma_start3A_221 = tpu.memref_slice %arg8[%dma_start3A_218, %dma_start3A_219, %dma_start3A_220] : memref<8x200x32xf32, #tpu.memory_space<vmem>> -> memref<1x200x32xf32, #tpu.memory_space<vmem>>
    %dma_start3A_222 = tpu.memref_squeeze %dma_start3A_221 : memref<1x200x32xf32, #tpu.memory_space<vmem>> -> memref<200x32xf32, #tpu.memory_space<vmem>>
    %dma_start3A_223 = arith.constant 0 : i32
    %dma_start3A_224 = tpu.memref_slice %arg6[%dma_start3A_217, %dma_start3A_223] : memref<8x200xi32, #tpu.memory_space<vmem>> -> memref<1x200xi32, #tpu.memory_space<vmem>>
    %dma_start3A_225 = tpu.memref_squeeze %dma_start3A_224 : memref<1x200xi32, #tpu.memory_space<vmem>> -> memref<200xi32, #tpu.memory_space<vmem>>
    %dma_start3A_226 = arith.constant 0 : i32
    %dma_start3A_227 = arith.constant 0 : i32
    %dma_start3A_228 = tpu.memref_slice %arg2[%dma_start3A_226, %dma_start3A_227] : memref<1000001x32xf32, #tpu.memory_space<hbm>> -> memref<1000001x32xf32, #tpu.memory_space<hbm>>
    tpu.enqueue_indirect_dma source(%dma_start3A_228 : memref<1000001x32xf32, #tpu.memory_space<hbm>>) target(%dma_start3A_222 : memref<200x32xf32, #tpu.memory_space<vmem>>) offsets(%dma_start3A_225 : memref<200xi32, #tpu.memory_space<vmem>>) semaphore(%arg9 : memref<!tpu.dma_semaphore, #tpu.memory_space<semaphore_mem>>)
    %dma_start3A_229 = arith.constant 2 : i32
    %dma_start3A_230 = arith.constant 2 : i32
    %dma_start3A_231 = arith.constant 0 : i32
    %dma_start3A_232 = arith.constant 0 : i32
    %dma_start3A_233 = tpu.memref_slice %arg8[%dma_start3A_230, %dma_start3A_231, %dma_start3A_232] : memref<8x200x32xf32, #tpu.memory_space<vmem>> -> memref<1x200x32xf32, #tpu.memory_space<vmem>>
    %dma_start3A_234 = tpu.memref_squeeze %dma_start3A_233 : memref<1x200x32xf32, #tpu.memory_space<vmem>> -> memref<200x32xf32, #tpu.memory_space<vmem>>
    %dma_start3A_235 = arith.constant 0 : i32
    %dma_start3A_236 = tpu.memref_slice %arg6[%dma_start3A_229, %dma_start3A_235] : memref<8x200xi32, #tpu.memory_space<vmem>> -> memref<1x200xi32, #tpu.memory_space<vmem>>
    %dma_start3A_237 = tpu.memref_squeeze %dma_start3A_236 : memref<1x200xi32, #tpu.memory_space<vmem>> -> memref<200xi32, #tpu.memory_space<vmem>>
    %dma_start3A_238 = arith.constant 0 : i32
    %dma_start3A_239 = arith.constant 0 : i32
    %dma_start3A_240 = tpu.memref_slice %arg2[%dma_start3A_238, %dma_start3A_239] : memref<1000001x32xf32, #tpu.memory_space<hbm>> -> memref<1000001x32xf32, #tpu.memory_space<hbm>>
    tpu.enqueue_indirect_dma source(%dma_start3A_240 : memref<1000001x32xf32, #tpu.memory_space<hbm>>) target(%dma_start3A_234 : memref<200x32xf32, #tpu.memory_space<vmem>>) offsets(%dma_start3A_237 : memref<200xi32, #tpu.memory_space<vmem>>) semaphore(%arg9 : memref<!tpu.dma_semaphore, #tpu.memory_space<semaphore_mem>>)
    %dma_start3A_241 = arith.constant 3 : i32
    %dma_start3A_242 = arith.constant 3 : i32
    %dma_start3A_243 = arith.constant 0 : i32
    %dma_start3A_244 = arith.constant 0 : i32
    %dma_start3A_245 = tpu.memref_slice %arg8[%dma_start3A_242, %dma_start3A_243, %dma_start3A_244] : memref<8x200x32xf32, #tpu.memory_space<vmem>> -> memref<1x200x32xf32, #tpu.memory_space<vmem>>
    %dma_start3A_246 = tpu.memref_squeeze %dma_start3A_245 : memref<1x200x32xf32, #tpu.memory_space<vmem>> -> memref<200x32xf32, #tpu.memory_space<vmem>>
    %dma_start3A_247 = arith.constant 0 : i32
    %dma_start3A_248 = tpu.memref_slice %arg6[%dma_start3A_241, %dma_start3A_247] : memref<8x200xi32, #tpu.memory_space<vmem>> -> memref<1x200xi32, #tpu.memory_space<vmem>>
    %dma_start3A_249 = tpu.memref_squeeze %dma_start3A_248 : memref<1x200xi32, #tpu.memory_space<vmem>> -> memref<200xi32, #tpu.memory_space<vmem>>
    %dma_start3A_250 = arith.constant 0 : i32
    %dma_start3A_251 = arith.constant 0 : i32
    %dma_start3A_252 = tpu.memref_slice %arg2[%dma_start3A_250, %dma_start3A_251] : memref<1000001x32xf32, #tpu.memory_space<hbm>> -> memref<1000001x32xf32, #tpu.memory_space<hbm>>
    tpu.enqueue_indirect_dma source(%dma_start3A_252 : memref<1000001x32xf32, #tpu.memory_space<hbm>>) target(%dma_start3A_246 : memref<200x32xf32, #tpu.memory_space<vmem>>) offsets(%dma_start3A_249 : memref<200xi32, #tpu.memory_space<vmem>>) semaphore(%arg9 : memref<!tpu.dma_semaphore, #tpu.memory_space<semaphore_mem>>)
    %dma_start3A_253 = arith.constant 4 : i32
    %dma_start3A_254 = arith.constant 4 : i32
    %dma_start3A_255 = arith.constant 0 : i32
    %dma_start3A_256 = arith.constant 0 : i32
    %dma_start3A_257 = tpu.memref_slice %arg8[%dma_start3A_254, %dma_start3A_255, %dma_start3A_256] : memref<8x200x32xf32, #tpu.memory_space<vmem>> -> memref<1x200x32xf32, #tpu.memory_space<vmem>>
    %dma_start3A_258 = tpu.memref_squeeze %dma_start3A_257 : memref<1x200x32xf32, #tpu.memory_space<vmem>> -> memref<200x32xf32, #tpu.memory_space<vmem>>
    %dma_start3A_259 = arith.constant 0 : i32
    %dma_start3A_260 = tpu.memref_slice %arg6[%dma_start3A_253, %dma_start3A_259] : memref<8x200xi32, #tpu.memory_space<vmem>> -> memref<1x200xi32, #tpu.memory_space<vmem>>
    %dma_start3A_261 = tpu.memref_squeeze %dma_start3A_260 : memref<1x200xi32, #tpu.memory_space<vmem>> -> memref<200xi32, #tpu.memory_space<vmem>>
    %dma_start3A_262 = arith.constant 0 : i32
    %dma_start3A_263 = arith.constant 0 : i32
    %dma_start3A_264 = tpu.memref_slice %arg2[%dma_start3A_262, %dma_start3A_263] : memref<1000001x32xf32, #tpu.memory_space<hbm>> -> memref<1000001x32xf32, #tpu.memory_space<hbm>>
    tpu.enqueue_indirect_dma source(%dma_start3A_264 : memref<1000001x32xf32, #tpu.memory_space<hbm>>) target(%dma_start3A_258 : memref<200x32xf32, #tpu.memory_space<vmem>>) offsets(%dma_start3A_261 : memref<200xi32, #tpu.memory_space<vmem>>) semaphore(%arg9 : memref<!tpu.dma_semaphore, #tpu.memory_space<semaphore_mem>>)
    %dma_start3A_265 = arith.constant 5 : i32
    %dma_start3A_266 = arith.constant 5 : i32
    %dma_start3A_267 = arith.constant 0 : i32
    %dma_start3A_268 = arith.constant 0 : i32
    %dma_start3A_269 = tpu.memref_slice %arg8[%dma_start3A_266, %dma_start3A_267, %dma_start3A_268] : memref<8x200x32xf32, #tpu.memory_space<vmem>> -> memref<1x200x32xf32, #tpu.memory_space<vmem>>
    %dma_start3A_270 = tpu.memref_squeeze %dma_start3A_269 : memref<1x200x32xf32, #tpu.memory_space<vmem>> -> memref<200x32xf32, #tpu.memory_space<vmem>>
    %dma_start3A_271 = arith.constant 0 : i32
    %dma_start3A_272 = tpu.memref_slice %arg6[%dma_start3A_265, %dma_start3A_271] : memref<8x200xi32, #tpu.memory_space<vmem>> -> memref<1x200xi32, #tpu.memory_space<vmem>>
    %dma_start3A_273 = tpu.memref_squeeze %dma_start3A_272 : memref<1x200xi32, #tpu.memory_space<vmem>> -> memref<200xi32, #tpu.memory_space<vmem>>
    %dma_start3A_274 = arith.constant 0 : i32
    %dma_start3A_275 = arith.constant 0 : i32
    %dma_start3A_276 = tpu.memref_slice %arg2[%dma_start3A_274, %dma_start3A_275] : memref<1000001x32xf32, #tpu.memory_space<hbm>> -> memref<1000001x32xf32, #tpu.memory_space<hbm>>
    tpu.enqueue_indirect_dma source(%dma_start3A_276 : memref<1000001x32xf32, #tpu.memory_space<hbm>>) target(%dma_start3A_270 : memref<200x32xf32, #tpu.memory_space<vmem>>) offsets(%dma_start3A_273 : memref<200xi32, #tpu.memory_space<vmem>>) semaphore(%arg9 : memref<!tpu.dma_semaphore, #tpu.memory_space<semaphore_mem>>)
    %dma_start3A_277 = arith.constant 6 : i32
    %dma_start3A_278 = arith.constant 6 : i32
    %dma_start3A_279 = arith.constant 0 : i32
    %dma_start3A_280 = arith.constant 0 : i32
    %dma_start3A_281 = tpu.memref_slice %arg8[%dma_start3A_278, %dma_start3A_279, %dma_start3A_280] : memref<8x200x32xf32, #tpu.memory_space<vmem>> -> memref<1x200x32xf32, #tpu.memory_space<vmem>>
    %dma_start3A_282 = tpu.memref_squeeze %dma_start3A_281 : memref<1x200x32xf32, #tpu.memory_space<vmem>> -> memref<200x32xf32, #tpu.memory_space<vmem>>
    %dma_start3A_283 = arith.constant 0 : i32
    %dma_start3A_284 = tpu.memref_slice %arg6[%dma_start3A_277, %dma_start3A_283] : memref<8x200xi32, #tpu.memory_space<vmem>> -> memref<1x200xi32, #tpu.memory_space<vmem>>
    %dma_start3A_285 = tpu.memref_squeeze %dma_start3A_284 : memref<1x200xi32, #tpu.memory_space<vmem>> -> memref<200xi32, #tpu.memory_space<vmem>>
    %dma_start3A_286 = arith.constant 0 : i32
    %dma_start3A_287 = arith.constant 0 : i32
    %dma_start3A_288 = tpu.memref_slice %arg2[%dma_start3A_286, %dma_start3A_287] : memref<1000001x32xf32, #tpu.memory_space<hbm>> -> memref<1000001x32xf32, #tpu.memory_space<hbm>>
    tpu.enqueue_indirect_dma source(%dma_start3A_288 : memref<1000001x32xf32, #tpu.memory_space<hbm>>) target(%dma_start3A_282 : memref<200x32xf32, #tpu.memory_space<vmem>>) offsets(%dma_start3A_285 : memref<200xi32, #tpu.memory_space<vmem>>) semaphore(%arg9 : memref<!tpu.dma_semaphore, #tpu.memory_space<semaphore_mem>>)
    %dma_start3A_289 = arith.constant 7 : i32
    %dma_start3A_290 = arith.constant 7 : i32
    %dma_start3A_291 = arith.constant 0 : i32
    %dma_start3A_292 = arith.constant 0 : i32
    %dma_start3A_293 = tpu.memref_slice %arg8[%dma_start3A_290, %dma_start3A_291, %dma_start3A_292] : memref<8x200x32xf32, #tpu.memory_space<vmem>> -> memref<1x200x32xf32, #tpu.memory_space<vmem>>
    %dma_start3A_294 = tpu.memref_squeeze %dma_start3A_293 : memref<1x200x32xf32, #tpu.memory_space<vmem>> -> memref<200x32xf32, #tpu.memory_space<vmem>>
    %dma_start3A_295 = arith.constant 0 : i32
    %dma_start3A_296 = tpu.memref_slice %arg6[%dma_start3A_289, %dma_start3A_295] : memref<8x200xi32, #tpu.memory_space<vmem>> -> memref<1x200xi32, #tpu.memory_space<vmem>>
    %dma_start3A_297 = tpu.memref_squeeze %dma_start3A_296 : memref<1x200xi32, #tpu.memory_space<vmem>> -> memref<200xi32, #tpu.memory_space<vmem>>
    %dma_start3A_298 = arith.constant 0 : i32
    %dma_start3A_299 = arith.constant 0 : i32
    %dma_start3A_300 = tpu.memref_slice %arg2[%dma_start3A_298, %dma_start3A_299] : memref<1000001x32xf32, #tpu.memory_space<hbm>> -> memref<1000001x32xf32, #tpu.memory_space<hbm>>
    tpu.enqueue_indirect_dma source(%dma_start3A_300 : memref<1000001x32xf32, #tpu.memory_space<hbm>>) target(%dma_start3A_294 : memref<200x32xf32, #tpu.memory_space<vmem>>) offsets(%dma_start3A_297 : memref<200xi32, #tpu.memory_space<vmem>>) semaphore(%arg9 : memref<!tpu.dma_semaphore, #tpu.memory_space<semaphore_mem>>)
    %dma_wait3A_301 = arith.constant 0 : i32
    %dma_wait3A_302 = arith.constant 0 : i32
    %dma_wait3A_303 = arith.constant 0 : i32
    %dma_wait3A_304 = arith.constant 0 : i32
    %dma_wait3A_305 = tpu.memref_slice %arg8[%dma_wait3A_302, %dma_wait3A_303, %dma_wait3A_304] : memref<8x200x32xf32, #tpu.memory_space<vmem>> -> memref<1x200x32xf32, #tpu.memory_space<vmem>>
    %dma_wait3A_306 = tpu.memref_squeeze %dma_wait3A_305 : memref<1x200x32xf32, #tpu.memory_space<vmem>> -> memref<200x32xf32, #tpu.memory_space<vmem>>
    %dma_wait3A_307 = arith.constant 0 : i32
    %dma_wait3A_308 = tpu.memref_slice %arg6[%dma_wait3A_301, %dma_wait3A_307] : memref<8x200xi32, #tpu.memory_space<vmem>> -> memref<1x200xi32, #tpu.memory_space<vmem>>
    %dma_wait3A_309 = tpu.memref_squeeze %dma_wait3A_308 : memref<1x200xi32, #tpu.memory_space<vmem>> -> memref<200xi32, #tpu.memory_space<vmem>>
    %dma_wait3A_310 = arith.constant 0 : i32
    %dma_wait3A_311 = arith.constant 0 : i32
    %dma_wait3A_312 = tpu.memref_slice %arg2[%dma_wait3A_310, %dma_wait3A_311] : memref<1000001x32xf32, #tpu.memory_space<hbm>> -> memref<1000001x32xf32, #tpu.memory_space<hbm>>
    tpu.wait_indirect_dma semaphore(%arg9 : memref<!tpu.dma_semaphore, #tpu.memory_space<semaphore_mem>>) src(%dma_wait3A_312 : memref<1000001x32xf32, #tpu.memory_space<hbm>>) dst(%dma_wait3A_306 : memref<200x32xf32, #tpu.memory_space<vmem>>)
    %dma_wait3A_313 = arith.constant 1 : i32
    %dma_wait3A_314 = arith.constant 1 : i32
    %dma_wait3A_315 = arith.constant 0 : i32
    %dma_wait3A_316 = arith.constant 0 : i32
    %dma_wait3A_317 = tpu.memref_slice %arg8[%dma_wait3A_314, %dma_wait3A_315, %dma_wait3A_316] : memref<8x200x32xf32, #tpu.memory_space<vmem>> -> memref<1x200x32xf32, #tpu.memory_space<vmem>>
    %dma_wait3A_318 = tpu.memref_squeeze %dma_wait3A_317 : memref<1x200x32xf32, #tpu.memory_space<vmem>> -> memref<200x32xf32, #tpu.memory_space<vmem>>
    %dma_wait3A_319 = arith.constant 0 : i32
    %dma_wait3A_320 = tpu.memref_slice %arg6[%dma_wait3A_313, %dma_wait3A_319] : memref<8x200xi32, #tpu.memory_space<vmem>> -> memref<1x200xi32, #tpu.memory_space<vmem>>
    %dma_wait3A_321 = tpu.memref_squeeze %dma_wait3A_320 : memref<1x200xi32, #tpu.memory_space<vmem>> -> memref<200xi32, #tpu.memory_space<vmem>>
    %dma_wait3A_322 = arith.constant 0 : i32
    %dma_wait3A_323 = arith.constant 0 : i32
    %dma_wait3A_324 = tpu.memref_slice %arg2[%dma_wait3A_322, %dma_wait3A_323] : memref<1000001x32xf32, #tpu.memory_space<hbm>> -> memref<1000001x32xf32, #tpu.memory_space<hbm>>
    tpu.wait_indirect_dma semaphore(%arg9 : memref<!tpu.dma_semaphore, #tpu.memory_space<semaphore_mem>>) src(%dma_wait3A_324 : memref<1000001x32xf32, #tpu.memory_space<hbm>>) dst(%dma_wait3A_318 : memref<200x32xf32, #tpu.memory_space<vmem>>)
    %dma_wait3A_325 = arith.constant 2 : i32
    %dma_wait3A_326 = arith.constant 2 : i32
    %dma_wait3A_327 = arith.constant 0 : i32
    %dma_wait3A_328 = arith.constant 0 : i32
    %dma_wait3A_329 = tpu.memref_slice %arg8[%dma_wait3A_326, %dma_wait3A_327, %dma_wait3A_328] : memref<8x200x32xf32, #tpu.memory_space<vmem>> -> memref<1x200x32xf32, #tpu.memory_space<vmem>>
    %dma_wait3A_330 = tpu.memref_squeeze %dma_wait3A_329 : memref<1x200x32xf32, #tpu.memory_space<vmem>> -> memref<200x32xf32, #tpu.memory_space<vmem>>
    %dma_wait3A_331 = arith.constant 0 : i32
    %dma_wait3A_332 = tpu.memref_slice %arg6[%dma_wait3A_325, %dma_wait3A_331] : memref<8x200xi32, #tpu.memory_space<vmem>> -> memref<1x200xi32, #tpu.memory_space<vmem>>
    %dma_wait3A_333 = tpu.memref_squeeze %dma_wait3A_332 : memref<1x200xi32, #tpu.memory_space<vmem>> -> memref<200xi32, #tpu.memory_space<vmem>>
    %dma_wait3A_334 = arith.constant 0 : i32
    %dma_wait3A_335 = arith.constant 0 : i32
    %dma_wait3A_336 = tpu.memref_slice %arg2[%dma_wait3A_334, %dma_wait3A_335] : memref<1000001x32xf32, #tpu.memory_space<hbm>> -> memref<1000001x32xf32, #tpu.memory_space<hbm>>
    tpu.wait_indirect_dma semaphore(%arg9 : memref<!tpu.dma_semaphore, #tpu.memory_space<semaphore_mem>>) src(%dma_wait3A_336 : memref<1000001x32xf32, #tpu.memory_space<hbm>>) dst(%dma_wait3A_330 : memref<200x32xf32, #tpu.memory_space<vmem>>)
    %dma_wait3A_337 = arith.constant 3 : i32
    %dma_wait3A_338 = arith.constant 3 : i32
    %dma_wait3A_339 = arith.constant 0 : i32
    %dma_wait3A_340 = arith.constant 0 : i32
    %dma_wait3A_341 = tpu.memref_slice %arg8[%dma_wait3A_338, %dma_wait3A_339, %dma_wait3A_340] : memref<8x200x32xf32, #tpu.memory_space<vmem>> -> memref<1x200x32xf32, #tpu.memory_space<vmem>>
    %dma_wait3A_342 = tpu.memref_squeeze %dma_wait3A_341 : memref<1x200x32xf32, #tpu.memory_space<vmem>> -> memref<200x32xf32, #tpu.memory_space<vmem>>
    %dma_wait3A_343 = arith.constant 0 : i32
    %dma_wait3A_344 = tpu.memref_slice %arg6[%dma_wait3A_337, %dma_wait3A_343] : memref<8x200xi32, #tpu.memory_space<vmem>> -> memref<1x200xi32, #tpu.memory_space<vmem>>
    %dma_wait3A_345 = tpu.memref_squeeze %dma_wait3A_344 : memref<1x200xi32, #tpu.memory_space<vmem>> -> memref<200xi32, #tpu.memory_space<vmem>>
    %dma_wait3A_346 = arith.constant 0 : i32
    %dma_wait3A_347 = arith.constant 0 : i32
    %dma_wait3A_348 = tpu.memref_slice %arg2[%dma_wait3A_346, %dma_wait3A_347] : memref<1000001x32xf32, #tpu.memory_space<hbm>> -> memref<1000001x32xf32, #tpu.memory_space<hbm>>
    tpu.wait_indirect_dma semaphore(%arg9 : memref<!tpu.dma_semaphore, #tpu.memory_space<semaphore_mem>>) src(%dma_wait3A_348 : memref<1000001x32xf32, #tpu.memory_space<hbm>>) dst(%dma_wait3A_342 : memref<200x32xf32, #tpu.memory_space<vmem>>)
    %dma_wait3A_349 = arith.constant 4 : i32
    %dma_wait3A_350 = arith.constant 4 : i32
    %dma_wait3A_351 = arith.constant 0 : i32
    %dma_wait3A_352 = arith.constant 0 : i32
    %dma_wait3A_353 = tpu.memref_slice %arg8[%dma_wait3A_350, %dma_wait3A_351, %dma_wait3A_352] : memref<8x200x32xf32, #tpu.memory_space<vmem>> -> memref<1x200x32xf32, #tpu.memory_space<vmem>>
    %dma_wait3A_354 = tpu.memref_squeeze %dma_wait3A_353 : memref<1x200x32xf32, #tpu.memory_space<vmem>> -> memref<200x32xf32, #tpu.memory_space<vmem>>
    %dma_wait3A_355 = arith.constant 0 : i32
    %dma_wait3A_356 = tpu.memref_slice %arg6[%dma_wait3A_349, %dma_wait3A_355] : memref<8x200xi32, #tpu.memory_space<vmem>> -> memref<1x200xi32, #tpu.memory_space<vmem>>
    %dma_wait3A_357 = tpu.memref_squeeze %dma_wait3A_356 : memref<1x200xi32, #tpu.memory_space<vmem>> -> memref<200xi32, #tpu.memory_space<vmem>>
    %dma_wait3A_358 = arith.constant 0 : i32
    %dma_wait3A_359 = arith.constant 0 : i32
    %dma_wait3A_360 = tpu.memref_slice %arg2[%dma_wait3A_358, %dma_wait3A_359] : memref<1000001x32xf32, #tpu.memory_space<hbm>> -> memref<1000001x32xf32, #tpu.memory_space<hbm>>
    tpu.wait_indirect_dma semaphore(%arg9 : memref<!tpu.dma_semaphore, #tpu.memory_space<semaphore_mem>>) src(%dma_wait3A_360 : memref<1000001x32xf32, #tpu.memory_space<hbm>>) dst(%dma_wait3A_354 : memref<200x32xf32, #tpu.memory_space<vmem>>)
    %dma_wait3A_361 = arith.constant 5 : i32
    %dma_wait3A_362 = arith.constant 5 : i32
    %dma_wait3A_363 = arith.constant 0 : i32
    %dma_wait3A_364 = arith.constant 0 : i32
    %dma_wait3A_365 = tpu.memref_slice %arg8[%dma_wait3A_362, %dma_wait3A_363, %dma_wait3A_364] : memref<8x200x32xf32, #tpu.memory_space<vmem>> -> memref<1x200x32xf32, #tpu.memory_space<vmem>>
    %dma_wait3A_366 = tpu.memref_squeeze %dma_wait3A_365 : memref<1x200x32xf32, #tpu.memory_space<vmem>> -> memref<200x32xf32, #tpu.memory_space<vmem>>
    %dma_wait3A_367 = arith.constant 0 : i32
    %dma_wait3A_368 = tpu.memref_slice %arg6[%dma_wait3A_361, %dma_wait3A_367] : memref<8x200xi32, #tpu.memory_space<vmem>> -> memref<1x200xi32, #tpu.memory_space<vmem>>
    %dma_wait3A_369 = tpu.memref_squeeze %dma_wait3A_368 : memref<1x200xi32, #tpu.memory_space<vmem>> -> memref<200xi32, #tpu.memory_space<vmem>>
    %dma_wait3A_370 = arith.constant 0 : i32
    %dma_wait3A_371 = arith.constant 0 : i32
    %dma_wait3A_372 = tpu.memref_slice %arg2[%dma_wait3A_370, %dma_wait3A_371] : memref<1000001x32xf32, #tpu.memory_space<hbm>> -> memref<1000001x32xf32, #tpu.memory_space<hbm>>
    tpu.wait_indirect_dma semaphore(%arg9 : memref<!tpu.dma_semaphore, #tpu.memory_space<semaphore_mem>>) src(%dma_wait3A_372 : memref<1000001x32xf32, #tpu.memory_space<hbm>>) dst(%dma_wait3A_366 : memref<200x32xf32, #tpu.memory_space<vmem>>)
    %dma_wait3A_373 = arith.constant 6 : i32
    %dma_wait3A_374 = arith.constant 6 : i32
    %dma_wait3A_375 = arith.constant 0 : i32
    %dma_wait3A_376 = arith.constant 0 : i32
    %dma_wait3A_377 = tpu.memref_slice %arg8[%dma_wait3A_374, %dma_wait3A_375, %dma_wait3A_376] : memref<8x200x32xf32, #tpu.memory_space<vmem>> -> memref<1x200x32xf32, #tpu.memory_space<vmem>>
    %dma_wait3A_378 = tpu.memref_squeeze %dma_wait3A_377 : memref<1x200x32xf32, #tpu.memory_space<vmem>> -> memref<200x32xf32, #tpu.memory_space<vmem>>
    %dma_wait3A_379 = arith.constant 0 : i32
    %dma_wait3A_380 = tpu.memref_slice %arg6[%dma_wait3A_373, %dma_wait3A_379] : memref<8x200xi32, #tpu.memory_space<vmem>> -> memref<1x200xi32, #tpu.memory_space<vmem>>
    %dma_wait3A_381 = tpu.memref_squeeze %dma_wait3A_380 : memref<1x200xi32, #tpu.memory_space<vmem>> -> memref<200xi32, #tpu.memory_space<vmem>>
    %dma_wait3A_382 = arith.constant 0 : i32
    %dma_wait3A_383 = arith.constant 0 : i32
    %dma_wait3A_384 = tpu.memref_slice %arg2[%dma_wait3A_382, %dma_wait3A_383] : memref<1000001x32xf32, #tpu.memory_space<hbm>> -> memref<1000001x32xf32, #tpu.memory_space<hbm>>
    tpu.wait_indirect_dma semaphore(%arg9 : memref<!tpu.dma_semaphore, #tpu.memory_space<semaphore_mem>>) src(%dma_wait3A_384 : memref<1000001x32xf32, #tpu.memory_space<hbm>>) dst(%dma_wait3A_378 : memref<200x32xf32, #tpu.memory_space<vmem>>)
    %dma_wait3A_385 = arith.constant 7 : i32
    %dma_wait3A_386 = arith.constant 7 : i32
    %dma_wait3A_387 = arith.constant 0 : i32
    %dma_wait3A_388 = arith.constant 0 : i32
    %dma_wait3A_389 = tpu.memref_slice %arg8[%dma_wait3A_386, %dma_wait3A_387, %dma_wait3A_388] : memref<8x200x32xf32, #tpu.memory_space<vmem>> -> memref<1x200x32xf32, #tpu.memory_space<vmem>>
    %dma_wait3A_390 = tpu.memref_squeeze %dma_wait3A_389 : memref<1x200x32xf32, #tpu.memory_space<vmem>> -> memref<200x32xf32, #tpu.memory_space<vmem>>
    %dma_wait3A_391 = arith.constant 0 : i32
    %dma_wait3A_392 = tpu.memref_slice %arg6[%dma_wait3A_385, %dma_wait3A_391] : memref<8x200xi32, #tpu.memory_space<vmem>> -> memref<1x200xi32, #tpu.memory_space<vmem>>
    %dma_wait3A_393 = tpu.memref_squeeze %dma_wait3A_392 : memref<1x200xi32, #tpu.memory_space<vmem>> -> memref<200xi32, #tpu.memory_space<vmem>>
    %dma_wait3A_394 = arith.constant 0 : i32
    %dma_wait3A_395 = arith.constant 0 : i32
    %dma_wait3A_396 = tpu.memref_slice %arg2[%dma_wait3A_394, %dma_wait3A_395] : memref<1000001x32xf32, #tpu.memory_space<hbm>> -> memref<1000001x32xf32, #tpu.memory_space<hbm>>
    tpu.wait_indirect_dma semaphore(%arg9 : memref<!tpu.dma_semaphore, #tpu.memory_space<semaphore_mem>>) src(%dma_wait3A_396 : memref<1000001x32xf32, #tpu.memory_space<hbm>>) dst(%dma_wait3A_390 : memref<200x32xf32, #tpu.memory_space<vmem>>)
    %add3A_397 = arith.constant 8 : i32
    %add3A_398 = arith.addi %mul3A_2, %add3A_397 : i32
    %dma_start3A_399 = arith.constant 0 : i32
    %dma_start3A_400 = arith.constant 0 : i32
    %dma_start3A_401 = tpu.memref_slice %arg4[%add3A_398, %dma_start3A_399, %dma_start3A_400] : memref<4096x200x32xf32, #tpu.memory_space<hbm>> -> memref<8x200x32xf32, #tpu.memory_space<hbm>>
    %dma_start3A_402 = arith.constant 0 : i32
    %dma_start3A_403 = arith.constant 0 : i32
    %dma_start3A_404 = tpu.memref_slice %arg4[%add3A_398, %dma_start3A_402, %dma_start3A_403] : memref<4096x200x32xf32, #tpu.memory_space<hbm>> -> memref<8x200x32xf32, #tpu.memory_space<hbm>>
    tpu.enqueue_dma source(%arg8 : memref<8x200x32xf32, #tpu.memory_space<vmem>>) target(%dma_start3A_404 : memref<8x200x32xf32, #tpu.memory_space<hbm>>) target_semaphore(%arg11 : memref<!tpu.dma_semaphore, #tpu.memory_space<semaphore_mem>>)
    %scan3A = arith.constant 0 : i32
    %scan3A_405 = arith.constant 1 : i32
    %scan3A_406 = arith.constant 7 : i32
    %scan3A_407 = arith.addi %scan3A_405, %scan3A_406 : i32
    %scan3A_408 = arith.constant 1 : i32
    scf.for %scan3A_426 = %scan3A_405 to %scan3A_407 step %scan3A_408  : i32 {
      %mul3A_427 = arith.constant 2 : i32
      %mul3A_428 = arith.muli %mul3A_427, %scan3A_426 : i32
      %add3A_429 = arith.constant 0 : i32
      %add3A_430 = arith.addi %mul3A_428, %add3A_429 : i32
      %mul3A_431 = arith.constant 8 : i32
      %mul3A_432 = arith.muli %add3A_430, %mul3A_431 : i32
      %add3A_433 = arith.addi %mul3A_2, %mul3A_432 : i32
      "tpu.region"() ({
        %run_scoped3A = tpu.sem_alloc : memref<!tpu.dma_semaphore, #tpu.memory_space<semaphore_mem>>
        %dma_start3A_864 = arith.constant 0 : i32
        %dma_start3A_865 = tpu.memref_slice %arg3[%add3A_433, %dma_start3A_864] : memref<4096x200xi32, #tpu.memory_space<hbm>> -> memref<8x200xi32, #tpu.memory_space<hbm>>
        %dma_start3A_866 = arith.constant 0 : i32
        %dma_start3A_867 = tpu.memref_slice %arg3[%add3A_433, %dma_start3A_866] : memref<4096x200xi32, #tpu.memory_space<hbm>> -> memref<8x200xi32, #tpu.memory_space<hbm>>
        tpu.enqueue_dma source(%dma_start3A_867 : memref<8x200xi32, #tpu.memory_space<hbm>>) target(%arg5 : memref<8x200xi32, #tpu.memory_space<vmem>>) target_semaphore(%run_scoped3A : memref<!tpu.dma_semaphore, #tpu.memory_space<semaphore_mem>>)
        %dma_wait3A_868 = arith.constant 0 : i32
        %dma_wait3A_869 = tpu.memref_slice %arg3[%add3A_433, %dma_wait3A_868] : memref<4096x200xi32, #tpu.memory_space<hbm>> -> memref<8x200xi32, #tpu.memory_space<hbm>>
        %dma_wait3A_870 = arith.constant 0 : i32
        %dma_wait3A_871 = tpu.memref_slice %arg3[%add3A_433, %dma_wait3A_870] : memref<4096x200xi32, #tpu.memory_space<hbm>> -> memref<8x200xi32, #tpu.memory_space<hbm>>
        tpu.wait_dma2 semaphore(%run_scoped3A : memref<!tpu.dma_semaphore, #tpu.memory_space<semaphore_mem>>) src(%dma_wait3A_871 : memref<8x200xi32, #tpu.memory_space<hbm>>) dst(%arg5 : memref<8x200xi32, #tpu.memory_space<vmem>>)
        tpu.yield
      }) : () -> ()
      %sub3A = arith.constant 2 : i32
      %sub3A_434 = arith.subi %add3A_430, %sub3A : i32
      %mul3A_435 = arith.constant 8 : i32
      %mul3A_436 = arith.muli %sub3A_434, %mul3A_435 : i32
      %add3A_437 = arith.addi %mul3A_2, %mul3A_436 : i32
      %dma_wait3A_438 = arith.constant 0 : i32
      %dma_wait3A_439 = arith.constant 0 : i32
      %dma_wait3A_440 = tpu.memref_slice %arg4[%add3A_437, %dma_wait3A_438, %dma_wait3A_439] : memref<4096x200x32xf32, #tpu.memory_space<hbm>> -> memref<8x200x32xf32, #tpu.memory_space<hbm>>
      %dma_wait3A_441 = arith.constant 0 : i32
      %dma_wait3A_442 = arith.constant 0 : i32
      %dma_wait3A_443 = tpu.memref_slice %arg4[%add3A_437, %dma_wait3A_441, %dma_wait3A_442] : memref<4096x200x32xf32, #tpu.memory_space<hbm>> -> memref<8x200x32xf32, #tpu.memory_space<hbm>>
      tpu.wait_dma2 semaphore(%arg10 : memref<!tpu.dma_semaphore, #tpu.memory_space<semaphore_mem>>) src(%arg7 : memref<8x200x32xf32, #tpu.memory_space<vmem>>) dst(%dma_wait3A_443 : memref<8x200x32xf32, #tpu.memory_space<hbm>>)
      %dma_start3A_444 = arith.constant 0 : i32
      %dma_start3A_445 = arith.constant 0 : i32
      %dma_start3A_446 = arith.constant 0 : i32
      %dma_start3A_447 = arith.constant 0 : i32
      %dma_start3A_448 = tpu.memref_slice %arg7[%dma_start3A_445, %dma_start3A_446, %dma_start3A_447] : memref<8x200x32xf32, #tpu.memory_space<vmem>> -> memref<1x200x32xf32, #tpu.memory_space<vmem>>
      %dma_start3A_449 = tpu.memref_squeeze %dma_start3A_448 : memref<1x200x32xf32, #tpu.memory_space<vmem>> -> memref<200x32xf32, #tpu.memory_space<vmem>>
      %dma_start3A_450 = arith.constant 0 : i32
      %dma_start3A_451 = tpu.memref_slice %arg5[%dma_start3A_444, %dma_start3A_450] : memref<8x200xi32, #tpu.memory_space<vmem>> -> memref<1x200xi32, #tpu.memory_space<vmem>>
      %dma_start3A_452 = tpu.memref_squeeze %dma_start3A_451 : memref<1x200xi32, #tpu.memory_space<vmem>> -> memref<200xi32, #tpu.memory_space<vmem>>
      %dma_start3A_453 = arith.constant 0 : i32
      %dma_start3A_454 = arith.constant 0 : i32
      %dma_start3A_455 = tpu.memref_slice %arg2[%dma_start3A_453, %dma_start3A_454] : memref<1000001x32xf32, #tpu.memory_space<hbm>> -> memref<1000001x32xf32, #tpu.memory_space<hbm>>
      tpu.enqueue_indirect_dma source(%dma_start3A_455 : memref<1000001x32xf32, #tpu.memory_space<hbm>>) target(%dma_start3A_449 : memref<200x32xf32, #tpu.memory_space<vmem>>) offsets(%dma_start3A_452 : memref<200xi32, #tpu.memory_space<vmem>>) semaphore(%arg9 : memref<!tpu.dma_semaphore, #tpu.memory_space<semaphore_mem>>)
      %dma_start3A_456 = arith.constant 1 : i32
      %dma_start3A_457 = arith.constant 1 : i32
      %dma_start3A_458 = arith.constant 0 : i32
      %dma_start3A_459 = arith.constant 0 : i32
      %dma_start3A_460 = tpu.memref_slice %arg7[%dma_start3A_457, %dma_start3A_458, %dma_start3A_459] : memref<8x200x32xf32, #tpu.memory_space<vmem>> -> memref<1x200x32xf32, #tpu.memory_space<vmem>>
      %dma_start3A_461 = tpu.memref_squeeze %dma_start3A_460 : memref<1x200x32xf32, #tpu.memory_space<vmem>> -> memref<200x32xf32, #tpu.memory_space<vmem>>
      %dma_start3A_462 = arith.constant 0 : i32
      %dma_start3A_463 = tpu.memref_slice %arg5[%dma_start3A_456, %dma_start3A_462] : memref<8x200xi32, #tpu.memory_space<vmem>> -> memref<1x200xi32, #tpu.memory_space<vmem>>
      %dma_start3A_464 = tpu.memref_squeeze %dma_start3A_463 : memref<1x200xi32, #tpu.memory_space<vmem>> -> memref<200xi32, #tpu.memory_space<vmem>>
      %dma_start3A_465 = arith.constant 0 : i32
      %dma_start3A_466 = arith.constant 0 : i32
      %dma_start3A_467 = tpu.memref_slice %arg2[%dma_start3A_465, %dma_start3A_466] : memref<1000001x32xf32, #tpu.memory_space<hbm>> -> memref<1000001x32xf32, #tpu.memory_space<hbm>>
      tpu.enqueue_indirect_dma source(%dma_start3A_467 : memref<1000001x32xf32, #tpu.memory_space<hbm>>) target(%dma_start3A_461 : memref<200x32xf32, #tpu.memory_space<vmem>>) offsets(%dma_start3A_464 : memref<200xi32, #tpu.memory_space<vmem>>) semaphore(%arg9 : memref<!tpu.dma_semaphore, #tpu.memory_space<semaphore_mem>>)
      %dma_start3A_468 = arith.constant 2 : i32
      %dma_start3A_469 = arith.constant 2 : i32
      %dma_start3A_470 = arith.constant 0 : i32
      %dma_start3A_471 = arith.constant 0 : i32
      %dma_start3A_472 = tpu.memref_slice %arg7[%dma_start3A_469, %dma_start3A_470, %dma_start3A_471] : memref<8x200x32xf32, #tpu.memory_space<vmem>> -> memref<1x200x32xf32, #tpu.memory_space<vmem>>
      %dma_start3A_473 = tpu.memref_squeeze %dma_start3A_472 : memref<1x200x32xf32, #tpu.memory_space<vmem>> -> memref<200x32xf32, #tpu.memory_space<vmem>>
      %dma_start3A_474 = arith.constant 0 : i32
      %dma_start3A_475 = tpu.memref_slice %arg5[%dma_start3A_468, %dma_start3A_474] : memref<8x200xi32, #tpu.memory_space<vmem>> -> memref<1x200xi32, #tpu.memory_space<vmem>>
      %dma_start3A_476 = tpu.memref_squeeze %dma_start3A_475 : memref<1x200xi32, #tpu.memory_space<vmem>> -> memref<200xi32, #tpu.memory_space<vmem>>
      %dma_start3A_477 = arith.constant 0 : i32
      %dma_start3A_478 = arith.constant 0 : i32
      %dma_start3A_479 = tpu.memref_slice %arg2[%dma_start3A_477, %dma_start3A_478] : memref<1000001x32xf32, #tpu.memory_space<hbm>> -> memref<1000001x32xf32, #tpu.memory_space<hbm>>
      tpu.enqueue_indirect_dma source(%dma_start3A_479 : memref<1000001x32xf32, #tpu.memory_space<hbm>>) target(%dma_start3A_473 : memref<200x32xf32, #tpu.memory_space<vmem>>) offsets(%dma_start3A_476 : memref<200xi32, #tpu.memory_space<vmem>>) semaphore(%arg9 : memref<!tpu.dma_semaphore, #tpu.memory_space<semaphore_mem>>)
      %dma_start3A_480 = arith.constant 3 : i32
      %dma_start3A_481 = arith.constant 3 : i32
      %dma_start3A_482 = arith.constant 0 : i32
      %dma_start3A_483 = arith.constant 0 : i32
      %dma_start3A_484 = tpu.memref_slice %arg7[%dma_start3A_481, %dma_start3A_482, %dma_start3A_483] : memref<8x200x32xf32, #tpu.memory_space<vmem>> -> memref<1x200x32xf32, #tpu.memory_space<vmem>>
      %dma_start3A_485 = tpu.memref_squeeze %dma_start3A_484 : memref<1x200x32xf32, #tpu.memory_space<vmem>> -> memref<200x32xf32, #tpu.memory_space<vmem>>
      %dma_start3A_486 = arith.constant 0 : i32
      %dma_start3A_487 = tpu.memref_slice %arg5[%dma_start3A_480, %dma_start3A_486] : memref<8x200xi32, #tpu.memory_space<vmem>> -> memref<1x200xi32, #tpu.memory_space<vmem>>
      %dma_start3A_488 = tpu.memref_squeeze %dma_start3A_487 : memref<1x200xi32, #tpu.memory_space<vmem>> -> memref<200xi32, #tpu.memory_space<vmem>>
      %dma_start3A_489 = arith.constant 0 : i32
      %dma_start3A_490 = arith.constant 0 : i32
      %dma_start3A_491 = tpu.memref_slice %arg2[%dma_start3A_489, %dma_start3A_490] : memref<1000001x32xf32, #tpu.memory_space<hbm>> -> memref<1000001x32xf32, #tpu.memory_space<hbm>>
      tpu.enqueue_indirect_dma source(%dma_start3A_491 : memref<1000001x32xf32, #tpu.memory_space<hbm>>) target(%dma_start3A_485 : memref<200x32xf32, #tpu.memory_space<vmem>>) offsets(%dma_start3A_488 : memref<200xi32, #tpu.memory_space<vmem>>) semaphore(%arg9 : memref<!tpu.dma_semaphore, #tpu.memory_space<semaphore_mem>>)
      %dma_start3A_492 = arith.constant 4 : i32
      %dma_start3A_493 = arith.constant 4 : i32
      %dma_start3A_494 = arith.constant 0 : i32
      %dma_start3A_495 = arith.constant 0 : i32
      %dma_start3A_496 = tpu.memref_slice %arg7[%dma_start3A_493, %dma_start3A_494, %dma_start3A_495] : memref<8x200x32xf32, #tpu.memory_space<vmem>> -> memref<1x200x32xf32, #tpu.memory_space<vmem>>
      %dma_start3A_497 = tpu.memref_squeeze %dma_start3A_496 : memref<1x200x32xf32, #tpu.memory_space<vmem>> -> memref<200x32xf32, #tpu.memory_space<vmem>>
      %dma_start3A_498 = arith.constant 0 : i32
      %dma_start3A_499 = tpu.memref_slice %arg5[%dma_start3A_492, %dma_start3A_498] : memref<8x200xi32, #tpu.memory_space<vmem>> -> memref<1x200xi32, #tpu.memory_space<vmem>>
      %dma_start3A_500 = tpu.memref_squeeze %dma_start3A_499 : memref<1x200xi32, #tpu.memory_space<vmem>> -> memref<200xi32, #tpu.memory_space<vmem>>
      %dma_start3A_501 = arith.constant 0 : i32
      %dma_start3A_502 = arith.constant 0 : i32
      %dma_start3A_503 = tpu.memref_slice %arg2[%dma_start3A_501, %dma_start3A_502] : memref<1000001x32xf32, #tpu.memory_space<hbm>> -> memref<1000001x32xf32, #tpu.memory_space<hbm>>
      tpu.enqueue_indirect_dma source(%dma_start3A_503 : memref<1000001x32xf32, #tpu.memory_space<hbm>>) target(%dma_start3A_497 : memref<200x32xf32, #tpu.memory_space<vmem>>) offsets(%dma_start3A_500 : memref<200xi32, #tpu.memory_space<vmem>>) semaphore(%arg9 : memref<!tpu.dma_semaphore, #tpu.memory_space<semaphore_mem>>)
      %dma_start3A_504 = arith.constant 5 : i32
      %dma_start3A_505 = arith.constant 5 : i32
      %dma_start3A_506 = arith.constant 0 : i32
      %dma_start3A_507 = arith.constant 0 : i32
      %dma_start3A_508 = tpu.memref_slice %arg7[%dma_start3A_505, %dma_start3A_506, %dma_start3A_507] : memref<8x200x32xf32, #tpu.memory_space<vmem>> -> memref<1x200x32xf32, #tpu.memory_space<vmem>>
      %dma_start3A_509 = tpu.memref_squeeze %dma_start3A_508 : memref<1x200x32xf32, #tpu.memory_space<vmem>> -> memref<200x32xf32, #tpu.memory_space<vmem>>
      %dma_start3A_510 = arith.constant 0 : i32
      %dma_start3A_511 = tpu.memref_slice %arg5[%dma_start3A_504, %dma_start3A_510] : memref<8x200xi32, #tpu.memory_space<vmem>> -> memref<1x200xi32, #tpu.memory_space<vmem>>
      %dma_start3A_512 = tpu.memref_squeeze %dma_start3A_511 : memref<1x200xi32, #tpu.memory_space<vmem>> -> memref<200xi32, #tpu.memory_space<vmem>>
      %dma_start3A_513 = arith.constant 0 : i32
      %dma_start3A_514 = arith.constant 0 : i32
      %dma_start3A_515 = tpu.memref_slice %arg2[%dma_start3A_513, %dma_start3A_514] : memref<1000001x32xf32, #tpu.memory_space<hbm>> -> memref<1000001x32xf32, #tpu.memory_space<hbm>>
      tpu.enqueue_indirect_dma source(%dma_start3A_515 : memref<1000001x32xf32, #tpu.memory_space<hbm>>) target(%dma_start3A_509 : memref<200x32xf32, #tpu.memory_space<vmem>>) offsets(%dma_start3A_512 : memref<200xi32, #tpu.memory_space<vmem>>) semaphore(%arg9 : memref<!tpu.dma_semaphore, #tpu.memory_space<semaphore_mem>>)
      %dma_start3A_516 = arith.constant 6 : i32
      %dma_start3A_517 = arith.constant 6 : i32
      %dma_start3A_518 = arith.constant 0 : i32
      %dma_start3A_519 = arith.constant 0 : i32
      %dma_start3A_520 = tpu.memref_slice %arg7[%dma_start3A_517, %dma_start3A_518, %dma_start3A_519] : memref<8x200x32xf32, #tpu.memory_space<vmem>> -> memref<1x200x32xf32, #tpu.memory_space<vmem>>
      %dma_start3A_521 = tpu.memref_squeeze %dma_start3A_520 : memref<1x200x32xf32, #tpu.memory_space<vmem>> -> memref<200x32xf32, #tpu.memory_space<vmem>>
      %dma_start3A_522 = arith.constant 0 : i32
      %dma_start3A_523 = tpu.memref_slice %arg5[%dma_start3A_516, %dma_start3A_522] : memref<8x200xi32, #tpu.memory_space<vmem>> -> memref<1x200xi32, #tpu.memory_space<vmem>>
      %dma_start3A_524 = tpu.memref_squeeze %dma_start3A_523 : memref<1x200xi32, #tpu.memory_space<vmem>> -> memref<200xi32, #tpu.memory_space<vmem>>
      %dma_start3A_525 = arith.constant 0 : i32
      %dma_start3A_526 = arith.constant 0 : i32
      %dma_start3A_527 = tpu.memref_slice %arg2[%dma_start3A_525, %dma_start3A_526] : memref<1000001x32xf32, #tpu.memory_space<hbm>> -> memref<1000001x32xf32, #tpu.memory_space<hbm>>
      tpu.enqueue_indirect_dma source(%dma_start3A_527 : memref<1000001x32xf32, #tpu.memory_space<hbm>>) target(%dma_start3A_521 : memref<200x32xf32, #tpu.memory_space<vmem>>) offsets(%dma_start3A_524 : memref<200xi32, #tpu.memory_space<vmem>>) semaphore(%arg9 : memref<!tpu.dma_semaphore, #tpu.memory_space<semaphore_mem>>)
      %dma_start3A_528 = arith.constant 7 : i32
      %dma_start3A_529 = arith.constant 7 : i32
      %dma_start3A_530 = arith.constant 0 : i32
      %dma_start3A_531 = arith.constant 0 : i32
      %dma_start3A_532 = tpu.memref_slice %arg7[%dma_start3A_529, %dma_start3A_530, %dma_start3A_531] : memref<8x200x32xf32, #tpu.memory_space<vmem>> -> memref<1x200x32xf32, #tpu.memory_space<vmem>>
      %dma_start3A_533 = tpu.memref_squeeze %dma_start3A_532 : memref<1x200x32xf32, #tpu.memory_space<vmem>> -> memref<200x32xf32, #tpu.memory_space<vmem>>
      %dma_start3A_534 = arith.constant 0 : i32
      %dma_start3A_535 = tpu.memref_slice %arg5[%dma_start3A_528, %dma_start3A_534] : memref<8x200xi32, #tpu.memory_space<vmem>> -> memref<1x200xi32, #tpu.memory_space<vmem>>
      %dma_start3A_536 = tpu.memref_squeeze %dma_start3A_535 : memref<1x200xi32, #tpu.memory_space<vmem>> -> memref<200xi32, #tpu.memory_space<vmem>>
      %dma_start3A_537 = arith.constant 0 : i32
      %dma_start3A_538 = arith.constant 0 : i32
      %dma_start3A_539 = tpu.memref_slice %arg2[%dma_start3A_537, %dma_start3A_538] : memref<1000001x32xf32, #tpu.memory_space<hbm>> -> memref<1000001x32xf32, #tpu.memory_space<hbm>>
      tpu.enqueue_indirect_dma source(%dma_start3A_539 : memref<1000001x32xf32, #tpu.memory_space<hbm>>) target(%dma_start3A_533 : memref<200x32xf32, #tpu.memory_space<vmem>>) offsets(%dma_start3A_536 : memref<200xi32, #tpu.memory_space<vmem>>) semaphore(%arg9 : memref<!tpu.dma_semaphore, #tpu.memory_space<semaphore_mem>>)
      %dma_wait3A_540 = arith.constant 0 : i32
      %dma_wait3A_541 = arith.constant 0 : i32
      %dma_wait3A_542 = arith.constant 0 : i32
      %dma_wait3A_543 = arith.constant 0 : i32
      %dma_wait3A_544 = tpu.memref_slice %arg7[%dma_wait3A_541, %dma_wait3A_542, %dma_wait3A_543] : memref<8x200x32xf32, #tpu.memory_space<vmem>> -> memref<1x200x32xf32, #tpu.memory_space<vmem>>
      %dma_wait3A_545 = tpu.memref_squeeze %dma_wait3A_544 : memref<1x200x32xf32, #tpu.memory_space<vmem>> -> memref<200x32xf32, #tpu.memory_space<vmem>>
      %dma_wait3A_546 = arith.constant 0 : i32
      %dma_wait3A_547 = tpu.memref_slice %arg5[%dma_wait3A_540, %dma_wait3A_546] : memref<8x200xi32, #tpu.memory_space<vmem>> -> memref<1x200xi32, #tpu.memory_space<vmem>>
      %dma_wait3A_548 = tpu.memref_squeeze %dma_wait3A_547 : memref<1x200xi32, #tpu.memory_space<vmem>> -> memref<200xi32, #tpu.memory_space<vmem>>
      %dma_wait3A_549 = arith.constant 0 : i32
      %dma_wait3A_550 = arith.constant 0 : i32
      %dma_wait3A_551 = tpu.memref_slice %arg2[%dma_wait3A_549, %dma_wait3A_550] : memref<1000001x32xf32, #tpu.memory_space<hbm>> -> memref<1000001x32xf32, #tpu.memory_space<hbm>>
      tpu.wait_indirect_dma semaphore(%arg9 : memref<!tpu.dma_semaphore, #tpu.memory_space<semaphore_mem>>) src(%dma_wait3A_551 : memref<1000001x32xf32, #tpu.memory_space<hbm>>) dst(%dma_wait3A_545 : memref<200x32xf32, #tpu.memory_space<vmem>>)
      %dma_wait3A_552 = arith.constant 1 : i32
      %dma_wait3A_553 = arith.constant 1 : i32
      %dma_wait3A_554 = arith.constant 0 : i32
      %dma_wait3A_555 = arith.constant 0 : i32
      %dma_wait3A_556 = tpu.memref_slice %arg7[%dma_wait3A_553, %dma_wait3A_554, %dma_wait3A_555] : memref<8x200x32xf32, #tpu.memory_space<vmem>> -> memref<1x200x32xf32, #tpu.memory_space<vmem>>
      %dma_wait3A_557 = tpu.memref_squeeze %dma_wait3A_556 : memref<1x200x32xf32, #tpu.memory_space<vmem>> -> memref<200x32xf32, #tpu.memory_space<vmem>>
      %dma_wait3A_558 = arith.constant 0 : i32
      %dma_wait3A_559 = tpu.memref_slice %arg5[%dma_wait3A_552, %dma_wait3A_558] : memref<8x200xi32, #tpu.memory_space<vmem>> -> memref<1x200xi32, #tpu.memory_space<vmem>>
      %dma_wait3A_560 = tpu.memref_squeeze %dma_wait3A_559 : memref<1x200xi32, #tpu.memory_space<vmem>> -> memref<200xi32, #tpu.memory_space<vmem>>
      %dma_wait3A_561 = arith.constant 0 : i32
      %dma_wait3A_562 = arith.constant 0 : i32
      %dma_wait3A_563 = tpu.memref_slice %arg2[%dma_wait3A_561, %dma_wait3A_562] : memref<1000001x32xf32, #tpu.memory_space<hbm>> -> memref<1000001x32xf32, #tpu.memory_space<hbm>>
      tpu.wait_indirect_dma semaphore(%arg9 : memref<!tpu.dma_semaphore, #tpu.memory_space<semaphore_mem>>) src(%dma_wait3A_563 : memref<1000001x32xf32, #tpu.memory_space<hbm>>) dst(%dma_wait3A_557 : memref<200x32xf32, #tpu.memory_space<vmem>>)
      %dma_wait3A_564 = arith.constant 2 : i32
      %dma_wait3A_565 = arith.constant 2 : i32
      %dma_wait3A_566 = arith.constant 0 : i32
      %dma_wait3A_567 = arith.constant 0 : i32
      %dma_wait3A_568 = tpu.memref_slice %arg7[%dma_wait3A_565, %dma_wait3A_566, %dma_wait3A_567] : memref<8x200x32xf32, #tpu.memory_space<vmem>> -> memref<1x200x32xf32, #tpu.memory_space<vmem>>
      %dma_wait3A_569 = tpu.memref_squeeze %dma_wait3A_568 : memref<1x200x32xf32, #tpu.memory_space<vmem>> -> memref<200x32xf32, #tpu.memory_space<vmem>>
      %dma_wait3A_570 = arith.constant 0 : i32
      %dma_wait3A_571 = tpu.memref_slice %arg5[%dma_wait3A_564, %dma_wait3A_570] : memref<8x200xi32, #tpu.memory_space<vmem>> -> memref<1x200xi32, #tpu.memory_space<vmem>>
      %dma_wait3A_572 = tpu.memref_squeeze %dma_wait3A_571 : memref<1x200xi32, #tpu.memory_space<vmem>> -> memref<200xi32, #tpu.memory_space<vmem>>
      %dma_wait3A_573 = arith.constant 0 : i32
      %dma_wait3A_574 = arith.constant 0 : i32
      %dma_wait3A_575 = tpu.memref_slice %arg2[%dma_wait3A_573, %dma_wait3A_574] : memref<1000001x32xf32, #tpu.memory_space<hbm>> -> memref<1000001x32xf32, #tpu.memory_space<hbm>>
      tpu.wait_indirect_dma semaphore(%arg9 : memref<!tpu.dma_semaphore, #tpu.memory_space<semaphore_mem>>) src(%dma_wait3A_575 : memref<1000001x32xf32, #tpu.memory_space<hbm>>) dst(%dma_wait3A_569 : memref<200x32xf32, #tpu.memory_space<vmem>>)
      %dma_wait3A_576 = arith.constant 3 : i32
      %dma_wait3A_577 = arith.constant 3 : i32
      %dma_wait3A_578 = arith.constant 0 : i32
      %dma_wait3A_579 = arith.constant 0 : i32
      %dma_wait3A_580 = tpu.memref_slice %arg7[%dma_wait3A_577, %dma_wait3A_578, %dma_wait3A_579] : memref<8x200x32xf32, #tpu.memory_space<vmem>> -> memref<1x200x32xf32, #tpu.memory_space<vmem>>
      %dma_wait3A_581 = tpu.memref_squeeze %dma_wait3A_580 : memref<1x200x32xf32, #tpu.memory_space<vmem>> -> memref<200x32xf32, #tpu.memory_space<vmem>>
      %dma_wait3A_582 = arith.constant 0 : i32
      %dma_wait3A_583 = tpu.memref_slice %arg5[%dma_wait3A_576, %dma_wait3A_582] : memref<8x200xi32, #tpu.memory_space<vmem>> -> memref<1x200xi32, #tpu.memory_space<vmem>>
      %dma_wait3A_584 = tpu.memref_squeeze %dma_wait3A_583 : memref<1x200xi32, #tpu.memory_space<vmem>> -> memref<200xi32, #tpu.memory_space<vmem>>
      %dma_wait3A_585 = arith.constant 0 : i32
      %dma_wait3A_586 = arith.constant 0 : i32
      %dma_wait3A_587 = tpu.memref_slice %arg2[%dma_wait3A_585, %dma_wait3A_586] : memref<1000001x32xf32, #tpu.memory_space<hbm>> -> memref<1000001x32xf32, #tpu.memory_space<hbm>>
      tpu.wait_indirect_dma semaphore(%arg9 : memref<!tpu.dma_semaphore, #tpu.memory_space<semaphore_mem>>) src(%dma_wait3A_587 : memref<1000001x32xf32, #tpu.memory_space<hbm>>) dst(%dma_wait3A_581 : memref<200x32xf32, #tpu.memory_space<vmem>>)
      %dma_wait3A_588 = arith.constant 4 : i32
      %dma_wait3A_589 = arith.constant 4 : i32
      %dma_wait3A_590 = arith.constant 0 : i32
      %dma_wait3A_591 = arith.constant 0 : i32
      %dma_wait3A_592 = tpu.memref_slice %arg7[%dma_wait3A_589, %dma_wait3A_590, %dma_wait3A_591] : memref<8x200x32xf32, #tpu.memory_space<vmem>> -> memref<1x200x32xf32, #tpu.memory_space<vmem>>
      %dma_wait3A_593 = tpu.memref_squeeze %dma_wait3A_592 : memref<1x200x32xf32, #tpu.memory_space<vmem>> -> memref<200x32xf32, #tpu.memory_space<vmem>>
      %dma_wait3A_594 = arith.constant 0 : i32
      %dma_wait3A_595 = tpu.memref_slice %arg5[%dma_wait3A_588, %dma_wait3A_594] : memref<8x200xi32, #tpu.memory_space<vmem>> -> memref<1x200xi32, #tpu.memory_space<vmem>>
      %dma_wait3A_596 = tpu.memref_squeeze %dma_wait3A_595 : memref<1x200xi32, #tpu.memory_space<vmem>> -> memref<200xi32, #tpu.memory_space<vmem>>
      %dma_wait3A_597 = arith.constant 0 : i32
      %dma_wait3A_598 = arith.constant 0 : i32
      %dma_wait3A_599 = tpu.memref_slice %arg2[%dma_wait3A_597, %dma_wait3A_598] : memref<1000001x32xf32, #tpu.memory_space<hbm>> -> memref<1000001x32xf32, #tpu.memory_space<hbm>>
      tpu.wait_indirect_dma semaphore(%arg9 : memref<!tpu.dma_semaphore, #tpu.memory_space<semaphore_mem>>) src(%dma_wait3A_599 : memref<1000001x32xf32, #tpu.memory_space<hbm>>) dst(%dma_wait3A_593 : memref<200x32xf32, #tpu.memory_space<vmem>>)
      %dma_wait3A_600 = arith.constant 5 : i32
      %dma_wait3A_601 = arith.constant 5 : i32
      %dma_wait3A_602 = arith.constant 0 : i32
      %dma_wait3A_603 = arith.constant 0 : i32
      %dma_wait3A_604 = tpu.memref_slice %arg7[%dma_wait3A_601, %dma_wait3A_602, %dma_wait3A_603] : memref<8x200x32xf32, #tpu.memory_space<vmem>> -> memref<1x200x32xf32, #tpu.memory_space<vmem>>
      %dma_wait3A_605 = tpu.memref_squeeze %dma_wait3A_604 : memref<1x200x32xf32, #tpu.memory_space<vmem>> -> memref<200x32xf32, #tpu.memory_space<vmem>>
      %dma_wait3A_606 = arith.constant 0 : i32
      %dma_wait3A_607 = tpu.memref_slice %arg5[%dma_wait3A_600, %dma_wait3A_606] : memref<8x200xi32, #tpu.memory_space<vmem>> -> memref<1x200xi32, #tpu.memory_space<vmem>>
      %dma_wait3A_608 = tpu.memref_squeeze %dma_wait3A_607 : memref<1x200xi32, #tpu.memory_space<vmem>> -> memref<200xi32, #tpu.memory_space<vmem>>
      %dma_wait3A_609 = arith.constant 0 : i32
      %dma_wait3A_610 = arith.constant 0 : i32
      %dma_wait3A_611 = tpu.memref_slice %arg2[%dma_wait3A_609, %dma_wait3A_610] : memref<1000001x32xf32, #tpu.memory_space<hbm>> -> memref<1000001x32xf32, #tpu.memory_space<hbm>>
      tpu.wait_indirect_dma semaphore(%arg9 : memref<!tpu.dma_semaphore, #tpu.memory_space<semaphore_mem>>) src(%dma_wait3A_611 : memref<1000001x32xf32, #tpu.memory_space<hbm>>) dst(%dma_wait3A_605 : memref<200x32xf32, #tpu.memory_space<vmem>>)
      %dma_wait3A_612 = arith.constant 6 : i32
      %dma_wait3A_613 = arith.constant 6 : i32
      %dma_wait3A_614 = arith.constant 0 : i32
      %dma_wait3A_615 = arith.constant 0 : i32
      %dma_wait3A_616 = tpu.memref_slice %arg7[%dma_wait3A_613, %dma_wait3A_614, %dma_wait3A_615] : memref<8x200x32xf32, #tpu.memory_space<vmem>> -> memref<1x200x32xf32, #tpu.memory_space<vmem>>
      %dma_wait3A_617 = tpu.memref_squeeze %dma_wait3A_616 : memref<1x200x32xf32, #tpu.memory_space<vmem>> -> memref<200x32xf32, #tpu.memory_space<vmem>>
      %dma_wait3A_618 = arith.constant 0 : i32
      %dma_wait3A_619 = tpu.memref_slice %arg5[%dma_wait3A_612, %dma_wait3A_618] : memref<8x200xi32, #tpu.memory_space<vmem>> -> memref<1x200xi32, #tpu.memory_space<vmem>>
      %dma_wait3A_620 = tpu.memref_squeeze %dma_wait3A_619 : memref<1x200xi32, #tpu.memory_space<vmem>> -> memref<200xi32, #tpu.memory_space<vmem>>
      %dma_wait3A_621 = arith.constant 0 : i32
      %dma_wait3A_622 = arith.constant 0 : i32
      %dma_wait3A_623 = tpu.memref_slice %arg2[%dma_wait3A_621, %dma_wait3A_622] : memref<1000001x32xf32, #tpu.memory_space<hbm>> -> memref<1000001x32xf32, #tpu.memory_space<hbm>>
      tpu.wait_indirect_dma semaphore(%arg9 : memref<!tpu.dma_semaphore, #tpu.memory_space<semaphore_mem>>) src(%dma_wait3A_623 : memref<1000001x32xf32, #tpu.memory_space<hbm>>) dst(%dma_wait3A_617 : memref<200x32xf32, #tpu.memory_space<vmem>>)
      %dma_wait3A_624 = arith.constant 7 : i32
      %dma_wait3A_625 = arith.constant 7 : i32
      %dma_wait3A_626 = arith.constant 0 : i32
      %dma_wait3A_627 = arith.constant 0 : i32
      %dma_wait3A_628 = tpu.memref_slice %arg7[%dma_wait3A_625, %dma_wait3A_626, %dma_wait3A_627] : memref<8x200x32xf32, #tpu.memory_space<vmem>> -> memref<1x200x32xf32, #tpu.memory_space<vmem>>
      %dma_wait3A_629 = tpu.memref_squeeze %dma_wait3A_628 : memref<1x200x32xf32, #tpu.memory_space<vmem>> -> memref<200x32xf32, #tpu.memory_space<vmem>>
      %dma_wait3A_630 = arith.constant 0 : i32
      %dma_wait3A_631 = tpu.memref_slice %arg5[%dma_wait3A_624, %dma_wait3A_630] : memref<8x200xi32, #tpu.memory_space<vmem>> -> memref<1x200xi32, #tpu.memory_space<vmem>>
      %dma_wait3A_632 = tpu.memref_squeeze %dma_wait3A_631 : memref<1x200xi32, #tpu.memory_space<vmem>> -> memref<200xi32, #tpu.memory_space<vmem>>
      %dma_wait3A_633 = arith.constant 0 : i32
      %dma_wait3A_634 = arith.constant 0 : i32
      %dma_wait3A_635 = tpu.memref_slice %arg2[%dma_wait3A_633, %dma_wait3A_634] : memref<1000001x32xf32, #tpu.memory_space<hbm>> -> memref<1000001x32xf32, #tpu.memory_space<hbm>>
      tpu.wait_indirect_dma semaphore(%arg9 : memref<!tpu.dma_semaphore, #tpu.memory_space<semaphore_mem>>) src(%dma_wait3A_635 : memref<1000001x32xf32, #tpu.memory_space<hbm>>) dst(%dma_wait3A_629 : memref<200x32xf32, #tpu.memory_space<vmem>>)
      %mul3A_636 = arith.constant 8 : i32
      %mul3A_637 = arith.muli %add3A_430, %mul3A_636 : i32
      %add3A_638 = arith.addi %mul3A_2, %mul3A_637 : i32
      %dma_start3A_639 = arith.constant 0 : i32
      %dma_start3A_640 = arith.constant 0 : i32
      %dma_start3A_641 = tpu.memref_slice %arg4[%add3A_638, %dma_start3A_639, %dma_start3A_640] : memref<4096x200x32xf32, #tpu.memory_space<hbm>> -> memref<8x200x32xf32, #tpu.memory_space<hbm>>
      %dma_start3A_642 = arith.constant 0 : i32
      %dma_start3A_643 = arith.constant 0 : i32
      %dma_start3A_644 = tpu.memref_slice %arg4[%add3A_638, %dma_start3A_642, %dma_start3A_643] : memref<4096x200x32xf32, #tpu.memory_space<hbm>> -> memref<8x200x32xf32, #tpu.memory_space<hbm>>
      tpu.enqueue_dma source(%arg7 : memref<8x200x32xf32, #tpu.memory_space<vmem>>) target(%dma_start3A_644 : memref<8x200x32xf32, #tpu.memory_space<hbm>>) target_semaphore(%arg10 : memref<!tpu.dma_semaphore, #tpu.memory_space<semaphore_mem>>)
      %mul3A_645 = arith.constant 2 : i32
      %mul3A_646 = arith.muli %mul3A_645, %scan3A_426 : i32
      %add3A_647 = arith.constant 1 : i32
      %add3A_648 = arith.addi %mul3A_646, %add3A_647 : i32
      %mul3A_649 = arith.constant 8 : i32
      %mul3A_650 = arith.muli %add3A_648, %mul3A_649 : i32
      %add3A_651 = arith.addi %mul3A_2, %mul3A_650 : i32
      "tpu.region"() ({
        %run_scoped3A = tpu.sem_alloc : memref<!tpu.dma_semaphore, #tpu.memory_space<semaphore_mem>>
        %dma_start3A_864 = arith.constant 0 : i32
        %dma_start3A_865 = tpu.memref_slice %arg3[%add3A_651, %dma_start3A_864] : memref<4096x200xi32, #tpu.memory_space<hbm>> -> memref<8x200xi32, #tpu.memory_space<hbm>>
        %dma_start3A_866 = arith.constant 0 : i32
        %dma_start3A_867 = tpu.memref_slice %arg3[%add3A_651, %dma_start3A_866] : memref<4096x200xi32, #tpu.memory_space<hbm>> -> memref<8x200xi32, #tpu.memory_space<hbm>>
        tpu.enqueue_dma source(%dma_start3A_867 : memref<8x200xi32, #tpu.memory_space<hbm>>) target(%arg6 : memref<8x200xi32, #tpu.memory_space<vmem>>) target_semaphore(%run_scoped3A : memref<!tpu.dma_semaphore, #tpu.memory_space<semaphore_mem>>)
        %dma_wait3A_868 = arith.constant 0 : i32
        %dma_wait3A_869 = tpu.memref_slice %arg3[%add3A_651, %dma_wait3A_868] : memref<4096x200xi32, #tpu.memory_space<hbm>> -> memref<8x200xi32, #tpu.memory_space<hbm>>
        %dma_wait3A_870 = arith.constant 0 : i32
        %dma_wait3A_871 = tpu.memref_slice %arg3[%add3A_651, %dma_wait3A_870] : memref<4096x200xi32, #tpu.memory_space<hbm>> -> memref<8x200xi32, #tpu.memory_space<hbm>>
        tpu.wait_dma2 semaphore(%run_scoped3A : memref<!tpu.dma_semaphore, #tpu.memory_space<semaphore_mem>>) src(%dma_wait3A_871 : memref<8x200xi32, #tpu.memory_space<hbm>>) dst(%arg6 : memref<8x200xi32, #tpu.memory_space<vmem>>)
        tpu.yield
      }) : () -> ()
      %sub3A_652 = arith.constant 2 : i32
      %sub3A_653 = arith.subi %add3A_648, %sub3A_652 : i32
      %mul3A_654 = arith.constant 8 : i32
      %mul3A_655 = arith.muli %sub3A_653, %mul3A_654 : i32
      %add3A_656 = arith.addi %mul3A_2, %mul3A_655 : i32
      %dma_wait3A_657 = arith.constant 0 : i32
      %dma_wait3A_658 = arith.constant 0 : i32
      %dma_wait3A_659 = tpu.memref_slice %arg4[%add3A_656, %dma_wait3A_657, %dma_wait3A_658] : memref<4096x200x32xf32, #tpu.memory_space<hbm>> -> memref<8x200x32xf32, #tpu.memory_space<hbm>>
      %dma_wait3A_660 = arith.constant 0 : i32
      %dma_wait3A_661 = arith.constant 0 : i32
      %dma_wait3A_662 = tpu.memref_slice %arg4[%add3A_656, %dma_wait3A_660, %dma_wait3A_661] : memref<4096x200x32xf32, #tpu.memory_space<hbm>> -> memref<8x200x32xf32, #tpu.memory_space<hbm>>
      tpu.wait_dma2 semaphore(%arg11 : memref<!tpu.dma_semaphore, #tpu.memory_space<semaphore_mem>>) src(%arg8 : memref<8x200x32xf32, #tpu.memory_space<vmem>>) dst(%dma_wait3A_662 : memref<8x200x32xf32, #tpu.memory_space<hbm>>)
      %dma_start3A_663 = arith.constant 0 : i32
      %dma_start3A_664 = arith.constant 0 : i32
      %dma_start3A_665 = arith.constant 0 : i32
      %dma_start3A_666 = arith.constant 0 : i32
      %dma_start3A_667 = tpu.memref_slice %arg8[%dma_start3A_664, %dma_start3A_665, %dma_start3A_666] : memref<8x200x32xf32, #tpu.memory_space<vmem>> -> memref<1x200x32xf32, #tpu.memory_space<vmem>>
      %dma_start3A_668 = tpu.memref_squeeze %dma_start3A_667 : memref<1x200x32xf32, #tpu.memory_space<vmem>> -> memref<200x32xf32, #tpu.memory_space<vmem>>
      %dma_start3A_669 = arith.constant 0 : i32
      %dma_start3A_670 = tpu.memref_slice %arg6[%dma_start3A_663, %dma_start3A_669] : memref<8x200xi32, #tpu.memory_space<vmem>> -> memref<1x200xi32, #tpu.memory_space<vmem>>
      %dma_start3A_671 = tpu.memref_squeeze %dma_start3A_670 : memref<1x200xi32, #tpu.memory_space<vmem>> -> memref<200xi32, #tpu.memory_space<vmem>>
      %dma_start3A_672 = arith.constant 0 : i32
      %dma_start3A_673 = arith.constant 0 : i32
      %dma_start3A_674 = tpu.memref_slice %arg2[%dma_start3A_672, %dma_start3A_673] : memref<1000001x32xf32, #tpu.memory_space<hbm>> -> memref<1000001x32xf32, #tpu.memory_space<hbm>>
      tpu.enqueue_indirect_dma source(%dma_start3A_674 : memref<1000001x32xf32, #tpu.memory_space<hbm>>) target(%dma_start3A_668 : memref<200x32xf32, #tpu.memory_space<vmem>>) offsets(%dma_start3A_671 : memref<200xi32, #tpu.memory_space<vmem>>) semaphore(%arg9 : memref<!tpu.dma_semaphore, #tpu.memory_space<semaphore_mem>>)
      %dma_start3A_675 = arith.constant 1 : i32
      %dma_start3A_676 = arith.constant 1 : i32
      %dma_start3A_677 = arith.constant 0 : i32
      %dma_start3A_678 = arith.constant 0 : i32
      %dma_start3A_679 = tpu.memref_slice %arg8[%dma_start3A_676, %dma_start3A_677, %dma_start3A_678] : memref<8x200x32xf32, #tpu.memory_space<vmem>> -> memref<1x200x32xf32, #tpu.memory_space<vmem>>
      %dma_start3A_680 = tpu.memref_squeeze %dma_start3A_679 : memref<1x200x32xf32, #tpu.memory_space<vmem>> -> memref<200x32xf32, #tpu.memory_space<vmem>>
      %dma_start3A_681 = arith.constant 0 : i32
      %dma_start3A_682 = tpu.memref_slice %arg6[%dma_start3A_675, %dma_start3A_681] : memref<8x200xi32, #tpu.memory_space<vmem>> -> memref<1x200xi32, #tpu.memory_space<vmem>>
      %dma_start3A_683 = tpu.memref_squeeze %dma_start3A_682 : memref<1x200xi32, #tpu.memory_space<vmem>> -> memref<200xi32, #tpu.memory_space<vmem>>
      %dma_start3A_684 = arith.constant 0 : i32
      %dma_start3A_685 = arith.constant 0 : i32
      %dma_start3A_686 = tpu.memref_slice %arg2[%dma_start3A_684, %dma_start3A_685] : memref<1000001x32xf32, #tpu.memory_space<hbm>> -> memref<1000001x32xf32, #tpu.memory_space<hbm>>
      tpu.enqueue_indirect_dma source(%dma_start3A_686 : memref<1000001x32xf32, #tpu.memory_space<hbm>>) target(%dma_start3A_680 : memref<200x32xf32, #tpu.memory_space<vmem>>) offsets(%dma_start3A_683 : memref<200xi32, #tpu.memory_space<vmem>>) semaphore(%arg9 : memref<!tpu.dma_semaphore, #tpu.memory_space<semaphore_mem>>)
      %dma_start3A_687 = arith.constant 2 : i32
      %dma_start3A_688 = arith.constant 2 : i32
      %dma_start3A_689 = arith.constant 0 : i32
      %dma_start3A_690 = arith.constant 0 : i32
      %dma_start3A_691 = tpu.memref_slice %arg8[%dma_start3A_688, %dma_start3A_689, %dma_start3A_690] : memref<8x200x32xf32, #tpu.memory_space<vmem>> -> memref<1x200x32xf32, #tpu.memory_space<vmem>>
      %dma_start3A_692 = tpu.memref_squeeze %dma_start3A_691 : memref<1x200x32xf32, #tpu.memory_space<vmem>> -> memref<200x32xf32, #tpu.memory_space<vmem>>
      %dma_start3A_693 = arith.constant 0 : i32
      %dma_start3A_694 = tpu.memref_slice %arg6[%dma_start3A_687, %dma_start3A_693] : memref<8x200xi32, #tpu.memory_space<vmem>> -> memref<1x200xi32, #tpu.memory_space<vmem>>
      %dma_start3A_695 = tpu.memref_squeeze %dma_start3A_694 : memref<1x200xi32, #tpu.memory_space<vmem>> -> memref<200xi32, #tpu.memory_space<vmem>>
      %dma_start3A_696 = arith.constant 0 : i32
      %dma_start3A_697 = arith.constant 0 : i32
      %dma_start3A_698 = tpu.memref_slice %arg2[%dma_start3A_696, %dma_start3A_697] : memref<1000001x32xf32, #tpu.memory_space<hbm>> -> memref<1000001x32xf32, #tpu.memory_space<hbm>>
      tpu.enqueue_indirect_dma source(%dma_start3A_698 : memref<1000001x32xf32, #tpu.memory_space<hbm>>) target(%dma_start3A_692 : memref<200x32xf32, #tpu.memory_space<vmem>>) offsets(%dma_start3A_695 : memref<200xi32, #tpu.memory_space<vmem>>) semaphore(%arg9 : memref<!tpu.dma_semaphore, #tpu.memory_space<semaphore_mem>>)
      %dma_start3A_699 = arith.constant 3 : i32
      %dma_start3A_700 = arith.constant 3 : i32
      %dma_start3A_701 = arith.constant 0 : i32
      %dma_start3A_702 = arith.constant 0 : i32
      %dma_start3A_703 = tpu.memref_slice %arg8[%dma_start3A_700, %dma_start3A_701, %dma_start3A_702] : memref<8x200x32xf32, #tpu.memory_space<vmem>> -> memref<1x200x32xf32, #tpu.memory_space<vmem>>
      %dma_start3A_704 = tpu.memref_squeeze %dma_start3A_703 : memref<1x200x32xf32, #tpu.memory_space<vmem>> -> memref<200x32xf32, #tpu.memory_space<vmem>>
      %dma_start3A_705 = arith.constant 0 : i32
      %dma_start3A_706 = tpu.memref_slice %arg6[%dma_start3A_699, %dma_start3A_705] : memref<8x200xi32, #tpu.memory_space<vmem>> -> memref<1x200xi32, #tpu.memory_space<vmem>>
      %dma_start3A_707 = tpu.memref_squeeze %dma_start3A_706 : memref<1x200xi32, #tpu.memory_space<vmem>> -> memref<200xi32, #tpu.memory_space<vmem>>
      %dma_start3A_708 = arith.constant 0 : i32
      %dma_start3A_709 = arith.constant 0 : i32
      %dma_start3A_710 = tpu.memref_slice %arg2[%dma_start3A_708, %dma_start3A_709] : memref<1000001x32xf32, #tpu.memory_space<hbm>> -> memref<1000001x32xf32, #tpu.memory_space<hbm>>
      tpu.enqueue_indirect_dma source(%dma_start3A_710 : memref<1000001x32xf32, #tpu.memory_space<hbm>>) target(%dma_start3A_704 : memref<200x32xf32, #tpu.memory_space<vmem>>) offsets(%dma_start3A_707 : memref<200xi32, #tpu.memory_space<vmem>>) semaphore(%arg9 : memref<!tpu.dma_semaphore, #tpu.memory_space<semaphore_mem>>)
      %dma_start3A_711 = arith.constant 4 : i32
      %dma_start3A_712 = arith.constant 4 : i32
      %dma_start3A_713 = arith.constant 0 : i32
      %dma_start3A_714 = arith.constant 0 : i32
      %dma_start3A_715 = tpu.memref_slice %arg8[%dma_start3A_712, %dma_start3A_713, %dma_start3A_714] : memref<8x200x32xf32, #tpu.memory_space<vmem>> -> memref<1x200x32xf32, #tpu.memory_space<vmem>>
      %dma_start3A_716 = tpu.memref_squeeze %dma_start3A_715 : memref<1x200x32xf32, #tpu.memory_space<vmem>> -> memref<200x32xf32, #tpu.memory_space<vmem>>
      %dma_start3A_717 = arith.constant 0 : i32
      %dma_start3A_718 = tpu.memref_slice %arg6[%dma_start3A_711, %dma_start3A_717] : memref<8x200xi32, #tpu.memory_space<vmem>> -> memref<1x200xi32, #tpu.memory_space<vmem>>
      %dma_start3A_719 = tpu.memref_squeeze %dma_start3A_718 : memref<1x200xi32, #tpu.memory_space<vmem>> -> memref<200xi32, #tpu.memory_space<vmem>>
      %dma_start3A_720 = arith.constant 0 : i32
      %dma_start3A_721 = arith.constant 0 : i32
      %dma_start3A_722 = tpu.memref_slice %arg2[%dma_start3A_720, %dma_start3A_721] : memref<1000001x32xf32, #tpu.memory_space<hbm>> -> memref<1000001x32xf32, #tpu.memory_space<hbm>>
      tpu.enqueue_indirect_dma source(%dma_start3A_722 : memref<1000001x32xf32, #tpu.memory_space<hbm>>) target(%dma_start3A_716 : memref<200x32xf32, #tpu.memory_space<vmem>>) offsets(%dma_start3A_719 : memref<200xi32, #tpu.memory_space<vmem>>) semaphore(%arg9 : memref<!tpu.dma_semaphore, #tpu.memory_space<semaphore_mem>>)
      %dma_start3A_723 = arith.constant 5 : i32
      %dma_start3A_724 = arith.constant 5 : i32
      %dma_start3A_725 = arith.constant 0 : i32
      %dma_start3A_726 = arith.constant 0 : i32
      %dma_start3A_727 = tpu.memref_slice %arg8[%dma_start3A_724, %dma_start3A_725, %dma_start3A_726] : memref<8x200x32xf32, #tpu.memory_space<vmem>> -> memref<1x200x32xf32, #tpu.memory_space<vmem>>
      %dma_start3A_728 = tpu.memref_squeeze %dma_start3A_727 : memref<1x200x32xf32, #tpu.memory_space<vmem>> -> memref<200x32xf32, #tpu.memory_space<vmem>>
      %dma_start3A_729 = arith.constant 0 : i32
      %dma_start3A_730 = tpu.memref_slice %arg6[%dma_start3A_723, %dma_start3A_729] : memref<8x200xi32, #tpu.memory_space<vmem>> -> memref<1x200xi32, #tpu.memory_space<vmem>>
      %dma_start3A_731 = tpu.memref_squeeze %dma_start3A_730 : memref<1x200xi32, #tpu.memory_space<vmem>> -> memref<200xi32, #tpu.memory_space<vmem>>
      %dma_start3A_732 = arith.constant 0 : i32
      %dma_start3A_733 = arith.constant 0 : i32
      %dma_start3A_734 = tpu.memref_slice %arg2[%dma_start3A_732, %dma_start3A_733] : memref<1000001x32xf32, #tpu.memory_space<hbm>> -> memref<1000001x32xf32, #tpu.memory_space<hbm>>
      tpu.enqueue_indirect_dma source(%dma_start3A_734 : memref<1000001x32xf32, #tpu.memory_space<hbm>>) target(%dma_start3A_728 : memref<200x32xf32, #tpu.memory_space<vmem>>) offsets(%dma_start3A_731 : memref<200xi32, #tpu.memory_space<vmem>>) semaphore(%arg9 : memref<!tpu.dma_semaphore, #tpu.memory_space<semaphore_mem>>)
      %dma_start3A_735 = arith.constant 6 : i32
      %dma_start3A_736 = arith.constant 6 : i32
      %dma_start3A_737 = arith.constant 0 : i32
      %dma_start3A_738 = arith.constant 0 : i32
      %dma_start3A_739 = tpu.memref_slice %arg8[%dma_start3A_736, %dma_start3A_737, %dma_start3A_738] : memref<8x200x32xf32, #tpu.memory_space<vmem>> -> memref<1x200x32xf32, #tpu.memory_space<vmem>>
      %dma_start3A_740 = tpu.memref_squeeze %dma_start3A_739 : memref<1x200x32xf32, #tpu.memory_space<vmem>> -> memref<200x32xf32, #tpu.memory_space<vmem>>
      %dma_start3A_741 = arith.constant 0 : i32
      %dma_start3A_742 = tpu.memref_slice %arg6[%dma_start3A_735, %dma_start3A_741] : memref<8x200xi32, #tpu.memory_space<vmem>> -> memref<1x200xi32, #tpu.memory_space<vmem>>
      %dma_start3A_743 = tpu.memref_squeeze %dma_start3A_742 : memref<1x200xi32, #tpu.memory_space<vmem>> -> memref<200xi32, #tpu.memory_space<vmem>>
      %dma_start3A_744 = arith.constant 0 : i32
      %dma_start3A_745 = arith.constant 0 : i32
      %dma_start3A_746 = tpu.memref_slice %arg2[%dma_start3A_744, %dma_start3A_745] : memref<1000001x32xf32, #tpu.memory_space<hbm>> -> memref<1000001x32xf32, #tpu.memory_space<hbm>>
      tpu.enqueue_indirect_dma source(%dma_start3A_746 : memref<1000001x32xf32, #tpu.memory_space<hbm>>) target(%dma_start3A_740 : memref<200x32xf32, #tpu.memory_space<vmem>>) offsets(%dma_start3A_743 : memref<200xi32, #tpu.memory_space<vmem>>) semaphore(%arg9 : memref<!tpu.dma_semaphore, #tpu.memory_space<semaphore_mem>>)
      %dma_start3A_747 = arith.constant 7 : i32
      %dma_start3A_748 = arith.constant 7 : i32
      %dma_start3A_749 = arith.constant 0 : i32
      %dma_start3A_750 = arith.constant 0 : i32
      %dma_start3A_751 = tpu.memref_slice %arg8[%dma_start3A_748, %dma_start3A_749, %dma_start3A_750] : memref<8x200x32xf32, #tpu.memory_space<vmem>> -> memref<1x200x32xf32, #tpu.memory_space<vmem>>
      %dma_start3A_752 = tpu.memref_squeeze %dma_start3A_751 : memref<1x200x32xf32, #tpu.memory_space<vmem>> -> memref<200x32xf32, #tpu.memory_space<vmem>>
      %dma_start3A_753 = arith.constant 0 : i32
      %dma_start3A_754 = tpu.memref_slice %arg6[%dma_start3A_747, %dma_start3A_753] : memref<8x200xi32, #tpu.memory_space<vmem>> -> memref<1x200xi32, #tpu.memory_space<vmem>>
      %dma_start3A_755 = tpu.memref_squeeze %dma_start3A_754 : memref<1x200xi32, #tpu.memory_space<vmem>> -> memref<200xi32, #tpu.memory_space<vmem>>
      %dma_start3A_756 = arith.constant 0 : i32
      %dma_start3A_757 = arith.constant 0 : i32
      %dma_start3A_758 = tpu.memref_slice %arg2[%dma_start3A_756, %dma_start3A_757] : memref<1000001x32xf32, #tpu.memory_space<hbm>> -> memref<1000001x32xf32, #tpu.memory_space<hbm>>
      tpu.enqueue_indirect_dma source(%dma_start3A_758 : memref<1000001x32xf32, #tpu.memory_space<hbm>>) target(%dma_start3A_752 : memref<200x32xf32, #tpu.memory_space<vmem>>) offsets(%dma_start3A_755 : memref<200xi32, #tpu.memory_space<vmem>>) semaphore(%arg9 : memref<!tpu.dma_semaphore, #tpu.memory_space<semaphore_mem>>)
      %dma_wait3A_759 = arith.constant 0 : i32
      %dma_wait3A_760 = arith.constant 0 : i32
      %dma_wait3A_761 = arith.constant 0 : i32
      %dma_wait3A_762 = arith.constant 0 : i32
      %dma_wait3A_763 = tpu.memref_slice %arg8[%dma_wait3A_760, %dma_wait3A_761, %dma_wait3A_762] : memref<8x200x32xf32, #tpu.memory_space<vmem>> -> memref<1x200x32xf32, #tpu.memory_space<vmem>>
      %dma_wait3A_764 = tpu.memref_squeeze %dma_wait3A_763 : memref<1x200x32xf32, #tpu.memory_space<vmem>> -> memref<200x32xf32, #tpu.memory_space<vmem>>
      %dma_wait3A_765 = arith.constant 0 : i32
      %dma_wait3A_766 = tpu.memref_slice %arg6[%dma_wait3A_759, %dma_wait3A_765] : memref<8x200xi32, #tpu.memory_space<vmem>> -> memref<1x200xi32, #tpu.memory_space<vmem>>
      %dma_wait3A_767 = tpu.memref_squeeze %dma_wait3A_766 : memref<1x200xi32, #tpu.memory_space<vmem>> -> memref<200xi32, #tpu.memory_space<vmem>>
      %dma_wait3A_768 = arith.constant 0 : i32
      %dma_wait3A_769 = arith.constant 0 : i32
      %dma_wait3A_770 = tpu.memref_slice %arg2[%dma_wait3A_768, %dma_wait3A_769] : memref<1000001x32xf32, #tpu.memory_space<hbm>> -> memref<1000001x32xf32, #tpu.memory_space<hbm>>
      tpu.wait_indirect_dma semaphore(%arg9 : memref<!tpu.dma_semaphore, #tpu.memory_space<semaphore_mem>>) src(%dma_wait3A_770 : memref<1000001x32xf32, #tpu.memory_space<hbm>>) dst(%dma_wait3A_764 : memref<200x32xf32, #tpu.memory_space<vmem>>)
      %dma_wait3A_771 = arith.constant 1 : i32
      %dma_wait3A_772 = arith.constant 1 : i32
      %dma_wait3A_773 = arith.constant 0 : i32
      %dma_wait3A_774 = arith.constant 0 : i32
      %dma_wait3A_775 = tpu.memref_slice %arg8[%dma_wait3A_772, %dma_wait3A_773, %dma_wait3A_774] : memref<8x200x32xf32, #tpu.memory_space<vmem>> -> memref<1x200x32xf32, #tpu.memory_space<vmem>>
      %dma_wait3A_776 = tpu.memref_squeeze %dma_wait3A_775 : memref<1x200x32xf32, #tpu.memory_space<vmem>> -> memref<200x32xf32, #tpu.memory_space<vmem>>
      %dma_wait3A_777 = arith.constant 0 : i32
      %dma_wait3A_778 = tpu.memref_slice %arg6[%dma_wait3A_771, %dma_wait3A_777] : memref<8x200xi32, #tpu.memory_space<vmem>> -> memref<1x200xi32, #tpu.memory_space<vmem>>
      %dma_wait3A_779 = tpu.memref_squeeze %dma_wait3A_778 : memref<1x200xi32, #tpu.memory_space<vmem>> -> memref<200xi32, #tpu.memory_space<vmem>>
      %dma_wait3A_780 = arith.constant 0 : i32
      %dma_wait3A_781 = arith.constant 0 : i32
      %dma_wait3A_782 = tpu.memref_slice %arg2[%dma_wait3A_780, %dma_wait3A_781] : memref<1000001x32xf32, #tpu.memory_space<hbm>> -> memref<1000001x32xf32, #tpu.memory_space<hbm>>
      tpu.wait_indirect_dma semaphore(%arg9 : memref<!tpu.dma_semaphore, #tpu.memory_space<semaphore_mem>>) src(%dma_wait3A_782 : memref<1000001x32xf32, #tpu.memory_space<hbm>>) dst(%dma_wait3A_776 : memref<200x32xf32, #tpu.memory_space<vmem>>)
      %dma_wait3A_783 = arith.constant 2 : i32
      %dma_wait3A_784 = arith.constant 2 : i32
      %dma_wait3A_785 = arith.constant 0 : i32
      %dma_wait3A_786 = arith.constant 0 : i32
      %dma_wait3A_787 = tpu.memref_slice %arg8[%dma_wait3A_784, %dma_wait3A_785, %dma_wait3A_786] : memref<8x200x32xf32, #tpu.memory_space<vmem>> -> memref<1x200x32xf32, #tpu.memory_space<vmem>>
      %dma_wait3A_788 = tpu.memref_squeeze %dma_wait3A_787 : memref<1x200x32xf32, #tpu.memory_space<vmem>> -> memref<200x32xf32, #tpu.memory_space<vmem>>
      %dma_wait3A_789 = arith.constant 0 : i32
      %dma_wait3A_790 = tpu.memref_slice %arg6[%dma_wait3A_783, %dma_wait3A_789] : memref<8x200xi32, #tpu.memory_space<vmem>> -> memref<1x200xi32, #tpu.memory_space<vmem>>
      %dma_wait3A_791 = tpu.memref_squeeze %dma_wait3A_790 : memref<1x200xi32, #tpu.memory_space<vmem>> -> memref<200xi32, #tpu.memory_space<vmem>>
      %dma_wait3A_792 = arith.constant 0 : i32
      %dma_wait3A_793 = arith.constant 0 : i32
      %dma_wait3A_794 = tpu.memref_slice %arg2[%dma_wait3A_792, %dma_wait3A_793] : memref<1000001x32xf32, #tpu.memory_space<hbm>> -> memref<1000001x32xf32, #tpu.memory_space<hbm>>
      tpu.wait_indirect_dma semaphore(%arg9 : memref<!tpu.dma_semaphore, #tpu.memory_space<semaphore_mem>>) src(%dma_wait3A_794 : memref<1000001x32xf32, #tpu.memory_space<hbm>>) dst(%dma_wait3A_788 : memref<200x32xf32, #tpu.memory_space<vmem>>)
      %dma_wait3A_795 = arith.constant 3 : i32
      %dma_wait3A_796 = arith.constant 3 : i32
      %dma_wait3A_797 = arith.constant 0 : i32
      %dma_wait3A_798 = arith.constant 0 : i32
      %dma_wait3A_799 = tpu.memref_slice %arg8[%dma_wait3A_796, %dma_wait3A_797, %dma_wait3A_798] : memref<8x200x32xf32, #tpu.memory_space<vmem>> -> memref<1x200x32xf32, #tpu.memory_space<vmem>>
      %dma_wait3A_800 = tpu.memref_squeeze %dma_wait3A_799 : memref<1x200x32xf32, #tpu.memory_space<vmem>> -> memref<200x32xf32, #tpu.memory_space<vmem>>
      %dma_wait3A_801 = arith.constant 0 : i32
      %dma_wait3A_802 = tpu.memref_slice %arg6[%dma_wait3A_795, %dma_wait3A_801] : memref<8x200xi32, #tpu.memory_space<vmem>> -> memref<1x200xi32, #tpu.memory_space<vmem>>
      %dma_wait3A_803 = tpu.memref_squeeze %dma_wait3A_802 : memref<1x200xi32, #tpu.memory_space<vmem>> -> memref<200xi32, #tpu.memory_space<vmem>>
      %dma_wait3A_804 = arith.constant 0 : i32
      %dma_wait3A_805 = arith.constant 0 : i32
      %dma_wait3A_806 = tpu.memref_slice %arg2[%dma_wait3A_804, %dma_wait3A_805] : memref<1000001x32xf32, #tpu.memory_space<hbm>> -> memref<1000001x32xf32, #tpu.memory_space<hbm>>
      tpu.wait_indirect_dma semaphore(%arg9 : memref<!tpu.dma_semaphore, #tpu.memory_space<semaphore_mem>>) src(%dma_wait3A_806 : memref<1000001x32xf32, #tpu.memory_space<hbm>>) dst(%dma_wait3A_800 : memref<200x32xf32, #tpu.memory_space<vmem>>)
      %dma_wait3A_807 = arith.constant 4 : i32
      %dma_wait3A_808 = arith.constant 4 : i32
      %dma_wait3A_809 = arith.constant 0 : i32
      %dma_wait3A_810 = arith.constant 0 : i32
      %dma_wait3A_811 = tpu.memref_slice %arg8[%dma_wait3A_808, %dma_wait3A_809, %dma_wait3A_810] : memref<8x200x32xf32, #tpu.memory_space<vmem>> -> memref<1x200x32xf32, #tpu.memory_space<vmem>>
      %dma_wait3A_812 = tpu.memref_squeeze %dma_wait3A_811 : memref<1x200x32xf32, #tpu.memory_space<vmem>> -> memref<200x32xf32, #tpu.memory_space<vmem>>
      %dma_wait3A_813 = arith.constant 0 : i32
      %dma_wait3A_814 = tpu.memref_slice %arg6[%dma_wait3A_807, %dma_wait3A_813] : memref<8x200xi32, #tpu.memory_space<vmem>> -> memref<1x200xi32, #tpu.memory_space<vmem>>
      %dma_wait3A_815 = tpu.memref_squeeze %dma_wait3A_814 : memref<1x200xi32, #tpu.memory_space<vmem>> -> memref<200xi32, #tpu.memory_space<vmem>>
      %dma_wait3A_816 = arith.constant 0 : i32
      %dma_wait3A_817 = arith.constant 0 : i32
      %dma_wait3A_818 = tpu.memref_slice %arg2[%dma_wait3A_816, %dma_wait3A_817] : memref<1000001x32xf32, #tpu.memory_space<hbm>> -> memref<1000001x32xf32, #tpu.memory_space<hbm>>
      tpu.wait_indirect_dma semaphore(%arg9 : memref<!tpu.dma_semaphore, #tpu.memory_space<semaphore_mem>>) src(%dma_wait3A_818 : memref<1000001x32xf32, #tpu.memory_space<hbm>>) dst(%dma_wait3A_812 : memref<200x32xf32, #tpu.memory_space<vmem>>)
      %dma_wait3A_819 = arith.constant 5 : i32
      %dma_wait3A_820 = arith.constant 5 : i32
      %dma_wait3A_821 = arith.constant 0 : i32
      %dma_wait3A_822 = arith.constant 0 : i32
      %dma_wait3A_823 = tpu.memref_slice %arg8[%dma_wait3A_820, %dma_wait3A_821, %dma_wait3A_822] : memref<8x200x32xf32, #tpu.memory_space<vmem>> -> memref<1x200x32xf32, #tpu.memory_space<vmem>>
      %dma_wait3A_824 = tpu.memref_squeeze %dma_wait3A_823 : memref<1x200x32xf32, #tpu.memory_space<vmem>> -> memref<200x32xf32, #tpu.memory_space<vmem>>
      %dma_wait3A_825 = arith.constant 0 : i32
      %dma_wait3A_826 = tpu.memref_slice %arg6[%dma_wait3A_819, %dma_wait3A_825] : memref<8x200xi32, #tpu.memory_space<vmem>> -> memref<1x200xi32, #tpu.memory_space<vmem>>
      %dma_wait3A_827 = tpu.memref_squeeze %dma_wait3A_826 : memref<1x200xi32, #tpu.memory_space<vmem>> -> memref<200xi32, #tpu.memory_space<vmem>>
      %dma_wait3A_828 = arith.constant 0 : i32
      %dma_wait3A_829 = arith.constant 0 : i32
      %dma_wait3A_830 = tpu.memref_slice %arg2[%dma_wait3A_828, %dma_wait3A_829] : memref<1000001x32xf32, #tpu.memory_space<hbm>> -> memref<1000001x32xf32, #tpu.memory_space<hbm>>
      tpu.wait_indirect_dma semaphore(%arg9 : memref<!tpu.dma_semaphore, #tpu.memory_space<semaphore_mem>>) src(%dma_wait3A_830 : memref<1000001x32xf32, #tpu.memory_space<hbm>>) dst(%dma_wait3A_824 : memref<200x32xf32, #tpu.memory_space<vmem>>)
      %dma_wait3A_831 = arith.constant 6 : i32
      %dma_wait3A_832 = arith.constant 6 : i32
      %dma_wait3A_833 = arith.constant 0 : i32
      %dma_wait3A_834 = arith.constant 0 : i32
      %dma_wait3A_835 = tpu.memref_slice %arg8[%dma_wait3A_832, %dma_wait3A_833, %dma_wait3A_834] : memref<8x200x32xf32, #tpu.memory_space<vmem>> -> memref<1x200x32xf32, #tpu.memory_space<vmem>>
      %dma_wait3A_836 = tpu.memref_squeeze %dma_wait3A_835 : memref<1x200x32xf32, #tpu.memory_space<vmem>> -> memref<200x32xf32, #tpu.memory_space<vmem>>
      %dma_wait3A_837 = arith.constant 0 : i32
      %dma_wait3A_838 = tpu.memref_slice %arg6[%dma_wait3A_831, %dma_wait3A_837] : memref<8x200xi32, #tpu.memory_space<vmem>> -> memref<1x200xi32, #tpu.memory_space<vmem>>
      %dma_wait3A_839 = tpu.memref_squeeze %dma_wait3A_838 : memref<1x200xi32, #tpu.memory_space<vmem>> -> memref<200xi32, #tpu.memory_space<vmem>>
      %dma_wait3A_840 = arith.constant 0 : i32
      %dma_wait3A_841 = arith.constant 0 : i32
      %dma_wait3A_842 = tpu.memref_slice %arg2[%dma_wait3A_840, %dma_wait3A_841] : memref<1000001x32xf32, #tpu.memory_space<hbm>> -> memref<1000001x32xf32, #tpu.memory_space<hbm>>
      tpu.wait_indirect_dma semaphore(%arg9 : memref<!tpu.dma_semaphore, #tpu.memory_space<semaphore_mem>>) src(%dma_wait3A_842 : memref<1000001x32xf32, #tpu.memory_space<hbm>>) dst(%dma_wait3A_836 : memref<200x32xf32, #tpu.memory_space<vmem>>)
      %dma_wait3A_843 = arith.constant 7 : i32
      %dma_wait3A_844 = arith.constant 7 : i32
      %dma_wait3A_845 = arith.constant 0 : i32
      %dma_wait3A_846 = arith.constant 0 : i32
      %dma_wait3A_847 = tpu.memref_slice %arg8[%dma_wait3A_844, %dma_wait3A_845, %dma_wait3A_846] : memref<8x200x32xf32, #tpu.memory_space<vmem>> -> memref<1x200x32xf32, #tpu.memory_space<vmem>>
      %dma_wait3A_848 = tpu.memref_squeeze %dma_wait3A_847 : memref<1x200x32xf32, #tpu.memory_space<vmem>> -> memref<200x32xf32, #tpu.memory_space<vmem>>
      %dma_wait3A_849 = arith.constant 0 : i32
      %dma_wait3A_850 = tpu.memref_slice %arg6[%dma_wait3A_843, %dma_wait3A_849] : memref<8x200xi32, #tpu.memory_space<vmem>> -> memref<1x200xi32, #tpu.memory_space<vmem>>
      %dma_wait3A_851 = tpu.memref_squeeze %dma_wait3A_850 : memref<1x200xi32, #tpu.memory_space<vmem>> -> memref<200xi32, #tpu.memory_space<vmem>>
      %dma_wait3A_852 = arith.constant 0 : i32
      %dma_wait3A_853 = arith.constant 0 : i32
      %dma_wait3A_854 = tpu.memref_slice %arg2[%dma_wait3A_852, %dma_wait3A_853] : memref<1000001x32xf32, #tpu.memory_space<hbm>> -> memref<1000001x32xf32, #tpu.memory_space<hbm>>
      tpu.wait_indirect_dma semaphore(%arg9 : memref<!tpu.dma_semaphore, #tpu.memory_space<semaphore_mem>>) src(%dma_wait3A_854 : memref<1000001x32xf32, #tpu.memory_space<hbm>>) dst(%dma_wait3A_848 : memref<200x32xf32, #tpu.memory_space<vmem>>)
      %mul3A_855 = arith.constant 8 : i32
      %mul3A_856 = arith.muli %add3A_648, %mul3A_855 : i32
      %add3A_857 = arith.addi %mul3A_2, %mul3A_856 : i32
      %dma_start3A_858 = arith.constant 0 : i32
      %dma_start3A_859 = arith.constant 0 : i32
      %dma_start3A_860 = tpu.memref_slice %arg4[%add3A_857, %dma_start3A_858, %dma_start3A_859] : memref<4096x200x32xf32, #tpu.memory_space<hbm>> -> memref<8x200x32xf32, #tpu.memory_space<hbm>>
      %dma_start3A_861 = arith.constant 0 : i32
      %dma_start3A_862 = arith.constant 0 : i32
      %dma_start3A_863 = tpu.memref_slice %arg4[%add3A_857, %dma_start3A_861, %dma_start3A_862] : memref<4096x200x32xf32, #tpu.memory_space<hbm>> -> memref<8x200x32xf32, #tpu.memory_space<hbm>>
      tpu.enqueue_dma source(%arg8 : memref<8x200x32xf32, #tpu.memory_space<vmem>>) target(%dma_start3A_863 : memref<8x200x32xf32, #tpu.memory_space<hbm>>) target_semaphore(%arg11 : memref<!tpu.dma_semaphore, #tpu.memory_space<semaphore_mem>>)
    }
    %scan3A_409 = arith.constant 7 : i32
    %add3A_410 = arith.constant 112 : i32
    %add3A_411 = arith.addi %mul3A_2, %add3A_410 : i32
    %dma_wait3A_412 = arith.constant 0 : i32
    %dma_wait3A_413 = arith.constant 0 : i32
    %dma_wait3A_414 = tpu.memref_slice %arg4[%add3A_411, %dma_wait3A_412, %dma_wait3A_413] : memref<4096x200x32xf32, #tpu.memory_space<hbm>> -> memref<8x200x32xf32, #tpu.memory_space<hbm>>
    %dma_wait3A_415 = arith.constant 0 : i32
    %dma_wait3A_416 = arith.constant 0 : i32
    %dma_wait3A_417 = tpu.memref_slice %arg4[%add3A_411, %dma_wait3A_415, %dma_wait3A_416] : memref<4096x200x32xf32, #tpu.memory_space<hbm>> -> memref<8x200x32xf32, #tpu.memory_space<hbm>>
    tpu.wait_dma2 semaphore(%arg10 : memref<!tpu.dma_semaphore, #tpu.memory_space<semaphore_mem>>) src(%arg7 : memref<8x200x32xf32, #tpu.memory_space<vmem>>) dst(%dma_wait3A_417 : memref<8x200x32xf32, #tpu.memory_space<hbm>>)
    %add3A_418 = arith.constant 120 : i32
    %add3A_419 = arith.addi %mul3A_2, %add3A_418 : i32
    %dma_wait3A_420 = arith.constant 0 : i32
    %dma_wait3A_421 = arith.constant 0 : i32
    %dma_wait3A_422 = tpu.memref_slice %arg4[%add3A_419, %dma_wait3A_420, %dma_wait3A_421] : memref<4096x200x32xf32, #tpu.memory_space<hbm>> -> memref<8x200x32xf32, #tpu.memory_space<hbm>>
    %dma_wait3A_423 = arith.constant 0 : i32
    %dma_wait3A_424 = arith.constant 0 : i32
    %dma_wait3A_425 = tpu.memref_slice %arg4[%add3A_419, %dma_wait3A_423, %dma_wait3A_424] : memref<4096x200x32xf32, #tpu.memory_space<hbm>> -> memref<8x200x32xf32, #tpu.memory_space<hbm>>
    tpu.wait_dma2 semaphore(%arg11 : memref<!tpu.dma_semaphore, #tpu.memory_space<semaphore_mem>>) src(%arg8 : memref<8x200x32xf32, #tpu.memory_space<vmem>>) dst(%dma_wait3A_425 : memref<8x200x32xf32, #tpu.memory_space<hbm>>)
    return
  }
}

</mosaic_0001>

<sc_bundles>
// kernel: kernel.3.cloned.1.call-start
scs
__scs_entry_jumppad:
0x0: {  	(pc) =	sbr.rel $0x88, $3  }
0x1: {  	(tag) =	ssettag $0x0;
	lr =	simm.s32 $0x1  }
0x2: {  	[smem:$0x3F9F] =	sst lr;
	_ =	strace $0xD0000000  }
0x3: {  	_ = 	snop  }
0x4: {  	_ = 	snop  }
0x5: {  	_ = 	snop  }
0x6: {  	_ = 	snop  }
0x7: {  	_ = 	snop  }
__scs_overlays_trampoline_lowered:
0x8: {  	[smem:$0x3FAE] =	sst s0  }
0x9: {  	[smem:$0x3FAF] =	sst s1  }
0xa: {  	[smem:$0x3FB0] =	sst s2  }
0xb: {  	[smem:$0x3FB1] =	sst s3  }
0xc: {  	[smem:$0x3FB2] =	sst s4  }
0xd: {  	[smem:$0x3FB3] =	sst s5  }
0xe: {  	[smem:$0x3FB4] =	sst s6  }
0xf: {  	[smem:$0x3FB5] =	sst s7  }
0x10: {  	[smem:$0x3FB6] =	sst s8  }
0x11: {  	[smem:$0x3FB7] =	sst s9;
	s0 =	simm.s32 @!p0 $0x0  }
0x12: {  	s1 =	sld [smem:$0x3F9D];
	s0 =	simm.s32 @p0 $0x1  }
0x13: {  	[smem:$0x3FB8] =	sst s0;
	s0 =	simm.s32 @!p1 $0x0  }
0x14: {  	s2 =	sld [smem:$0x3F9C];
	s0 =	simm.s32 @p1 $0x1  }
0x15: {  	[smem:$0x3FB9] =	sst s0;
	s0 =	simm.s32 @!p2 $0x0  }
0x16: {  	s3 =	sld [smem:$0x3FDB];
	s0 =	simm.s32 @p2 $0x1  }
0x17: {  	s4 =	simm.s32 $0x1BF5;
	[smem:$0x3FBB] =	sst s0  }
0x18: {  	s0 =	sld [smem:$0x3F9E];
	_ =	swait.ge [sflag:s4], $0x0  }
0x19: {  	s7 =	sld [smem:$0x3F9F]  }
0x1a: {  	s8 =	sadd.s32 $0xFFFFE003, lr  }
0x1b: {  	s9 =	sadd.s32 $0xFFFFFEF7, lr;
	s5 =	simm.s32 $0xFFFFFFFF;
	p2 =	slt.u32 s8, $0xFFFFF086  }
0x1c: {  	p1 =	slt.u32 s9, $0xF7A;
	s5 =	simm.s32 @!p2 $0x0  }
0x1d: {  	s5 =	simm.s32 @p1 $0x1;
	p0 =	seq.s32 s7, s2  }
0x1e: {  	s7 =	smul.u32 @!p0 $0xF7A, s2;
	p2 =	seq.s32 @!p0 s5, $0x0  }
0x1f: {  	s9 =	smul.u32 $0xF7A, s1;
	s8 =	simm.s32 @!p0 $0x1BF5;
	p2 =	por !p2, p0  }
0x20: {  	[sflag:s8] =	ssyncset.s32 @!p0 $0xFFFFF086;
	s6 =	sadd.s32 @!p0 s3, s7;
	s7 =	simm.s32 @!p0 $0x108  }
0x21: {  	s3 =	sadd.s32 s3, s9;
	s6 =	sadd.s32 @!p0 $0x88, s6;
	s7 =	simm.s32 @p2 $0x1082  }
0x22: {  	[simem:s7], [sflag:s8] =	dma.local @!p0 [hbm:s6], $0xF7A  }
0x23: {  	s9 =	sor.u32 $0xD0000000, s2;
	s6 =	simm.s32 $0x108;
	_ =	swait.ge @!p0 [sflag:s8], $0x0  }
0x24: {  	s3 =	sadd.s32 $0x88, s3;
	s6 =	simm.s32 @!p1 $0x1082;
	[sflag:s4] =	ssyncset.s32 $0xFFFFF086  }
0x25: {  	[simem:s6], [sflag:s4] =	dma.local [hbm:s3], $0xF7A  }
0x26: {  	[smem:$0x3F9F] =	sst s1;
	(tag) =	ssettag s2;
	_ =	strace s9  }
0x27: {  	s1 =	sld [smem:$0x3FAF]  }
0x28: {  	s2 =	sld [smem:$0x3FB0]  }
0x29: {  	s4 =	sld [smem:$0x3FB2]  }
0x2a: {  	p0 =	seq.s32 s5, $0x0;
	s5 =	sld [smem:$0x3FB3]  }
0x2b: {  	s6 =	sld [smem:$0x3FB4]  }
0x2c: {  	s7 =	sld [smem:$0x3FB5]  }
0x2d: {  	s3 =	simm.s32 $0x108;
	s8 =	sld [smem:$0x3FB6]  }
0x2e: {  	s3 =	simm.s32 @!p0 $0x1082;
	s9 =	sld [smem:$0x3FB7]  }
0x2f: {  	lr =	sadd.s32 s0, s3;
	s0 =	sld [smem:$0x3FAE]  }
0x30: {  	s3 =	sld [smem:$0x3FB1]  }
0x31: {  	[smem:$0x3FBA] =	sst s10  }
0x32: {  	s10 =	sld [smem:$0x3FB8];
	_ =	sdelay $0x3  }
0x33: {  	p0 =	seq.s32 s10, $0x1;
	s10 =	sld [smem:$0x3FBA];
	_ =	sdelay $0x3  }
0x34: {  	[smem:$0x3FBA] =	sst s10  }
0x35: {  	s10 =	sld [smem:$0x3FB9];
	_ =	sdelay $0x3  }
0x36: {  	p1 =	seq.s32 s10, $0x1;
	s10 =	sld [smem:$0x3FBA];
	_ =	sdelay $0x3  }
0x37: {  	[smem:$0x3FBA] =	sst s10  }
0x38: {  	s10 =	sld [smem:$0x3FBB]  }
0x39: {  	_ = 	snop;
	(pc) =	sbr.ind lr, $3  }
0x3a: {  	_ = 	snop  }
0x3b: {  	_ = 	snop  }
0x3c: {  	p2 =	seq.s32 s10, $0x1;
	s10 =	sld [smem:$0x3FBA]  }
0x3d: {  	_ =	shalt  }
0x3e: {  	_ =	shalt  }
0x3f: {  	_ =	shalt  }
0x40: {  	_ =	shalt  }
0x41: {  	_ =	shalt  }
0x42: {  	_ =	shalt  }
0x43: {  	_ =	shalt  }
0x44: {  	_ =	shalt  }
0x45: {  	_ =	shalt  }
0x46: {  	_ =	shalt  }
0x47: {  	_ =	shalt  }
0x48: {  	_ =	shalt  }
0x49: {  	_ =	shalt  }
0x4a: {  	_ =	shalt  }
0x4b: {  	_ =	shalt  }
0x4c: {  	_ =	shalt  }
0x4d: {  	_ =	shalt  }
0x4e: {  	_ =	shalt  }
0x4f: {  	_ =	shalt  }
0x50: {  	_ =	shalt  }
0x51: {  	_ =	shalt  }
0x52: {  	_ =	shalt  }
0x53: {  	_ =	shalt  }
0x54: {  	_ =	shalt  }
0x55: {  	_ =	shalt  }
0x56: {  	_ =	shalt  }
0x57: {  	_ =	shalt  }
0x58: {  	_ =	shalt  }
0x59: {  	_ =	shalt  }
0x5a: {  	_ =	shalt  }
0x5b: {  	_ =	shalt  }
0x5c: {  	_ =	shalt  }
0x5d: {  	_ =	shalt  }
0x5e: {  	_ =	shalt  }
0x5f: {  	_ =	shalt  }
0x60: {  	_ =	shalt  }
0x61: {  	_ =	shalt  }
0x62: {  	_ =	shalt  }
0x63: {  	_ =	shalt  }
0x64: {  	_ =	shalt  }
0x65: {  	_ =	shalt  }
0x66: {  	_ =	shalt  }
0x67: {  	_ =	shalt  }
0x68: {  	_ =	shalt  }
0x69: {  	_ =	shalt  }
0x6a: {  	_ =	shalt  }
0x6b: {  	_ =	shalt  }
0x6c: {  	_ =	shalt  }
0x6d: {  	_ =	shalt  }
0x6e: {  	_ =	shalt  }
0x6f: {  	_ =	shalt  }
0x70: {  	_ =	shalt  }
0x71: {  	_ =	shalt  }
0x72: {  	_ =	shalt  }
0x73: {  	_ =	shalt  }
0x74: {  	_ =	shalt  }
0x75: {  	_ =	shalt  }
0x76: {  	_ =	shalt  }
0x77: {  	_ =	shalt  }
0x78: {  	_ =	shalt  }
0x79: {  	_ =	shalt  }
0x7a: {  	_ =	shalt  }
0x7b: {  	_ =	shalt  }
0x7c: {  	_ =	shalt  }
0x7d: {  	_ =	shalt  }
0x7e: {  	_ =	shalt  }
0x7f: {  	_ =	shalt  }
0x80: {  	_ =	shalt  }
0x81: {  	_ =	shalt  }
0x82: {  	_ =	shalt  }
0x83: {  	_ =	shalt  }
0x84: {  	_ =	shalt  }
0x85: {  	_ =	shalt  }
0x86: {  	_ =	shalt  }
0x87: {  	_ =	shalt  }
.Lfunc_end0:
.L_simem_size_0:
called_computation.1_lowered:
.L_overlay_start_0:
0x88: {  	s2 =	sld [smem:$0x3FD9]  }
0x89: {  	s3 =	sld [smem:$0x3FFE];
	_ =	sdelay $0x1  }
0x8a: {  	s1 =	srdreg.scid  }
0x8b: {  	s0 =	sand.u32 $0x1, s1  }
0x8c: {  	s17 =	sshll.u32 s0, $0xA;
	s2 =	sadd.s32 s3, s2  }
0x8d: {  	s2 =	sadd.s32 s2, s17  }
0x8e: {  	[smem:$0x3FC6] =	sst s2  }
0x8f: {  	_ = 	snop  }
0x90: {  	s2 =	sld [smem:$0x3FD0];
	(tm) =	ssettm $0x1  }
0x91: {  	s18 =	sld [smem:$0x3FFB];
	_ =	sdelay $0x3  }
0x92: {  	_ =	strace s18  }
0x93: {  	s3 =	sld [smem:$0x3FFC];
	_ =	sdelay $0x3  }
0x94: {  	_ =	strace s3  }
0x95: {  	s3 =	sld [smem:$0x3FFD];
	_ =	sdelay $0x3  }
0x96: {  	_ =	strace s3  }
0x97: {  	_ =	strace $0x8FFFFFFF  }
0x98: {  	s19 =	sld [smem:$0x3FDB];
	_ =	sdelay $0x1  }
0x99: {  	s4 =	simm.s32 $_scs_section_size  }
0x9a: {  	s5 =	simm.s32 $_size__tile_overlayer_lowered;
	s6 =	simm.s32 $_tile_overlayer_lowered  }
0x9b: {  	s22 =	simm.s32 $0x1BFF;
	s21 =	sshll.u32 s6, $0x1;
	s3 =	sadd.s32 s4, s19  }
0x9c: {  	s7 =	simm.s32 $0x0;
	s20 =	sshll.u32 s5, $0x1;
	s5 =	sadd.s32 s21, s3  }
0x9d: {  	[timem:s7], [sflag:s22] =	dma.local [hbm:s5], s20  }
0x9e: {  	_ =	swait.ge [sflag:s22], s20  }
0x9f: {  	s4 =	ssub.s32 $0x0, s20;
	[sflag:s22] =	ssyncset.done $0x0  }
0xa0: {  	[sflag:s22] =	ssyncadd.s32 s4;
	_ =	sdelay $0x1  }
0xa1: {  	s23 =	simm.s32 $0x1B8B  }
0xa2: {  	_ =	swait.ge [sflag:s23], $0x1  }
0xa3: {  	[sflag:s23] =	ssyncset.done $0x0  }
0xa4: {  	s25 =	simm.s32 $0x1B8E;
	s24 =	sld [smem:$0x3FFE];
	[sflag:s23] =	ssyncadd.s32 $0xFFFFFFFF  }
0xa5: {  	s26 =	simm.s32 $execute0_lowered;
	[smem:$0x3FD2] =	sst s25  }
0xa6: {  	s5 =	sshll.u32 s26, $0x1;
	_ =	strace $0x80000046;
	[dreg:$0x1] =	wrdreg $0xFFFFFFFF  }
0xa7: {  	s28 =	simm.s32 $_size_execute0_lowered;
	s3 =	sadd.s32 s3, s5;
	[dreg:$0x0] =	wrdreg $0x0  }
0xa8: {  	s5 =	sshll.u32 s28, $0x1;
	[dreg:$0x2] =	wrdreg s3  }
0xa9: {  	[dreg:$0x3] =	wrdreg s5  }
0xaa: {  	[dreg:$0x4] =	wrdreg $0xC0  }
0xab: {  	_ =	task [dreg:s7], $0x5FFFF  }
0xac: {  	[dreg:$0x1] =	wrdreg $0xFFFFFFFF  }
0xad: {  	[dreg:$0x0] =	wrdreg $0x60  }
0xae: {  	[dreg:$0x2] =	wrdreg s24  }
0xaf: {  	[dreg:$0x3] =	wrdreg s2  }
0xb0: {  	[dreg:$0x4] =	wrdreg $0x9  }
0xb1: {  	_ =	task.clear_ibuf [dreg:s7], $0x5FFFF;
	_ =	strace $0x90000046  }
0xb2: {  	s29 =	simm.s32 $0x9;
	_ =	strace $0x80000048  }
0xb3: {  	_ =	swait.ge [sflag:s29], $0x1  }
0xb4: {  	[sflag:s29] =	ssyncadd.s32 $0xFFFFFFFF  }
0xb5: {  	_ =	strace $0x90000048  }
0xb6: {  	_ =	sfence  }
0xb7: {  	s30 =	sld [smem:$0x0];
	_ =	sdelay $0x2  }
0xb8: {  	s31 =	sshll.u32 s1, $0xD;
	s1 =	sshrl.u32 s1, $0x2  }
0xb9: {  	s3 =	sand.u32 $0x4000, s31;
	s1 =	sadd.s32 s1, s30  }
0xba: {  	s0 =	sor.u32 s3, s0;
	s1 =	sshll.u32 s1, $0x11  }
0xbb: {  	s0 =	sor.u32 s1, s0  }
0xbc: {  	s0 =	sadd.s32 $0x8F2B, s0  }
0xbd: {  	[sflag:s0] =	ssyncadd.remote.s32 $0x1  }
0xbe: {  	_ =	sfence.sel $0xFFFF  }
0xbf: {  	[dreg:$0x0] =	wrdreg $0xFFFFFFFF;
	(pc) =	sbr.abs _section_cstart, $3  }
0xc0: {  	[dreg:$0x1] =	wrdreg $0xFFFFFFFF  }
0xc1: {  	_ =	task.clear_ibuf [dreg:s7], $0x2FFFF;
	_ =	strace $0x9FFFFFFF  }
0xc2: {  	(tm) =	ssettm $0x7FFFFFFF  }
0xc3: {  	_ =	shalt  }
tec
execute0_lowered:
.L_overlay_start_1:
0x0: {  	(tag) =	ssettag $0x1  }
0x1: {  	s0 =	srdreg.scid;
	s4 =	rddreg [dreg:$0x0]  }
0x2: {  	s13 =	stileid.u32;
	s6 =	rddreg [dreg:$0x1];
	s28 =	simm.s32 $0x640  }
0x3: {  	s29 =	simm.s32 $0xD480;
	s17 =	simm.s32 $0x2;
	s18 =	simm.s32 $0x3  }
0x4: {  	s30 =	simm.s32 $0x2580;
	s31 =	simm.s32 $0x190;
	s15 =	simm.s32 $0xBB80  }
0x5: {  	s0 =	sand.u32 $0x1, s0;
	s1 =	sshll.u32 s13, $0x8;
	s10 =	smul.u32 $0x1900, s13  }
0x6: {  	s3 =	sadd.s32 $0xF43000, s4;
	s4 =	sadd.s32 $0xA00, s4;
	s21 =	smul.u32 $0x32000, s13  }
0x7: {  	s13 =	simm.s32 $0xA280;
	s2 =	sshll.u32 s0, $0x7;
	s12 =	smul.u32 $0xC80, s0  }
0x8: {  	s9 =	ssub.s32 $0x2, s0;
	s0 =	smul.u32 $0x19000, s0;
	s1 =	sor.u32 s2, s1  }
0x9: {  	s2 =	simm.s32 $0x0;
	s11 =	sshrl.u32 s9, $0x1;
	s5 =	smul.u32 $0x19, s1  }
0xa: {  	s24 =	sadd.s32 s21, s6;
	s7 =	smul.u32 $0x320, s1;
	s1 =	sor.u32 $0x8, s1  }
0xb: {  	[smem:$0x7FF] =	sst s2;
	s9 =	ssub.s32 s9, s11;
	s0 =	sadd.s32 s0, s24  }
0xc: {  	s11 =	simm.s32 $0xC8;
	s8 =	smul.u32 $0x19, s1;
	s26 =	smax.u32 s9, $0x1  }
0xd: {  	_ =	strace $0x80000047;
	s0 =	sadd.s32 $0x4B00, s0;
	[dreg:$0x8] =	wrdreg s26  }
0xe: {  	s1 =	smul.u32 $0x320, s1;
	s5 =	sadd.s32 s4, s5;
	[dreg:$0x9] =	wrdreg s0  }
0xf: {  	s22 =	sadd.s32 s6, s7;
	s26 =	simm.s32 $0x1;
	[dreg:$0x4] =	wrdreg s5  }
0x10: {  	s0 =	simm.s32 $0x0;
	[dreg:$0x5] =	wrdreg s22;
	s23 =	sadd.s32 s4, s8  }
0x11: {  	s4 =	sadd.s32 s10, s4;
	s1 =	sadd.s32 s6, s1;
	[dreg:$0x6] =	wrdreg s23  }
0x12: {  	s10 =	simm.s32 $0x4;
	[dreg:$0x7] =	wrdreg s1;
	s25 =	sadd.s32 s12, s4  }
0x13: {  	s8 =	simm.s32 $0x8980;
	s12 =	simm.s32 $0xC80;
	[dreg:$0x3] =	wrdreg s25  }
.LBB2_1:
0x14: {  	[dreg:$0xa] =	wrdreg s0  }
0x15: {  	s19 =	rddreg [dreg:$0x4]  }
0x16: {  	[tilespmem:s2], [sflag:$0x4] =	stream.linear.gather [hbm4b:s19+s2], $0x640, $0x38;
	[tilespmem:$0x19C80] =	vst v63  }
0x17: {  	_ =	swait.ge [sflag:s10], $0x640  }
0x18: {  	[sflag:s10] =	ssyncset.done $0x0  }
0x19: {  	[sflag:s10] =	ssyncadd.s32 $0xFFFFF9C0  }
0x1a: {  	[tilespmem:s12], [sflag:$0x1] =	stream.indirect.gather [hbm4b:s3+s11], $0x20, s2, s11, $0xb8;
	[tilespmem:$0x19C80] =	vst v63  }
0x1b: {  	s0 =	simm.s32 $0x2580  }
0x1c: {  	[tilespmem:s0], [sflag:$0x1] =	stream.indirect.gather [hbm4b:s3+s11], $0x20, s11, s11, $0xb8;
	[tilespmem:$0x19C80] =	vst v63  }
0x1d: {  	s4 =	simm.s32 $0x190;
	s23 =	simm.s32 $0x3E80  }
0x1e: {  	[tilespmem:s23], [sflag:$0x1] =	stream.indirect.gather [hbm4b:s3+s11], $0x20, s4, s11, $0xb8;
	[tilespmem:$0x19C80] =	vst v63  }
0x1f: {  	s5 =	simm.s32 $0x258;
	s25 =	simm.s32 $0x5780  }
0x20: {  	[tilespmem:s25], [sflag:$0x1] =	stream.indirect.gather [hbm4b:s3+s11], $0x20, s5, s11, $0xb8;
	[tilespmem:$0x19C80] =	vst v63  }
0x21: {  	s7 =	simm.s32 $0x320;
	s21 =	simm.s32 $0x7080  }
0x22: {  	[tilespmem:s21], [sflag:$0x1] =	stream.indirect.gather [hbm4b:s3+s11], $0x20, s7, s11, $0xb8;
	[tilespmem:$0x19C80] =	vst v63  }
0x23: {  	s9 =	simm.s32 $0x3E8;
	s22 =	simm.s32 $0x8980  }
0x24: {  	[tilespmem:s22], [sflag:$0x1] =	stream.indirect.gather [hbm4b:s3+s11], $0x20, s9, s11, $0xb8;
	[tilespmem:$0x19C80] =	vst v63  }
0x25: {  	s14 =	simm.s32 $0x4B0;
	s24 =	simm.s32 $0xA280  }
0x26: {  	[tilespmem:s24], [sflag:$0x1] =	stream.indirect.gather [hbm4b:s3+s11], $0x20, s14, s11, $0xb8;
	[tilespmem:$0x19C80] =	vst v63  }
0x27: {  	s16 =	simm.s32 $0x578;
	s1 =	simm.s32 $0xBB80  }
0x28: {  	[tilespmem:s1], [sflag:$0x1] =	stream.indirect.gather [hbm4b:s3+s11], $0x20, s16, s11, $0xb8;
	[tilespmem:$0x19C80] =	vst v63  }
0x29: {  	_ =	swait.ge [sflag:s26], $0x1900  }
0x2a: {  	[sflag:s26] =	ssyncset.done $0x0  }
0x2b: {  	[sflag:s26] =	ssyncadd.s32 $0xFFFFE700  }
0x2c: {  	_ =	swait.ge [sflag:s26], $0x1900  }
0x2d: {  	[sflag:s26] =	ssyncset.done $0x0  }
0x2e: {  	[sflag:s26] =	ssyncadd.s32 $0xFFFFE700  }
0x2f: {  	_ =	swait.ge [sflag:s26], $0x1900  }
0x30: {  	[sflag:s26] =	ssyncset.done $0x0  }
0x31: {  	[sflag:s26] =	ssyncadd.s32 $0xFFFFE700  }
0x32: {  	_ =	swait.ge [sflag:s26], $0x1900  }
0x33: {  	[sflag:s26] =	ssyncset.done $0x0  }
0x34: {  	[sflag:s26] =	ssyncadd.s32 $0xFFFFE700  }
0x35: {  	_ =	swait.ge [sflag:s26], $0x1900  }
0x36: {  	[sflag:s26] =	ssyncset.done $0x0  }
0x37: {  	[sflag:s26] =	ssyncadd.s32 $0xFFFFE700  }
0x38: {  	_ =	swait.ge [sflag:s26], $0x1900  }
0x39: {  	[sflag:s26] =	ssyncset.done $0x0  }
0x3a: {  	[sflag:s26] =	ssyncadd.s32 $0xFFFFE700  }
0x3b: {  	_ =	swait.ge [sflag:s26], $0x1900  }
0x3c: {  	[sflag:s26] =	ssyncset.done $0x0  }
0x3d: {  	[sflag:s26] =	ssyncadd.s32 $0xFFFFE700  }
0x3e: {  	_ =	swait.ge [sflag:s26], $0x1900  }
0x3f: {  	[sflag:s26] =	ssyncset.done $0x0  }
0x40: {  	s1 =	rddreg [dreg:$0x5];
	[sflag:s26] =	ssyncadd.s32 $0xFFFFE700  }
0x41: {  	[hbm4b:s1+s2] =	stream.linear.scatter [tilespmem:s12], [sflag:$0x2], $0xC800, $0x38;
	[tilespmem:$0x19C80] =	vst v63  }
0x42: {  	s6 =	rddreg [dreg:$0x6]  }
0x43: {  	[tilespmem:s28], [sflag:$0x4] =	stream.linear.gather [hbm4b:s6+s2], $0x640, $0x38;
	[tilespmem:$0x19C80] =	vst v63  }
0x44: {  	_ =	swait.ge [sflag:s10], $0x640  }
0x45: {  	[sflag:s10] =	ssyncset.done $0x0  }
0x46: {  	[sflag:s10] =	ssyncadd.s32 $0xFFFFF9C0  }
0x47: {  	[tilespmem:s29], [sflag:$0x1] =	stream.indirect.gather [hbm4b:s3+s11], $0x20, s28, s11, $0xb8;
	[tilespmem:$0x19C80] =	vst v63  }
0x48: {  	s20 =	simm.s32 $0x708;
	s6 =	simm.s32 $0xED80  }
0x49: {  	[tilespmem:s6], [sflag:$0x1] =	stream.indirect.gather [hbm4b:s3+s11], $0x20, s20, s11, $0xb8;
	[tilespmem:$0x19C80] =	vst v63  }
0x4a: {  	s19 =	simm.s32 $0x7D0;
	s20 =	simm.s32 $0x10680  }
0x4b: {  	[tilespmem:s20], [sflag:$0x1] =	stream.indirect.gather [hbm4b:s3+s11], $0x20, s19, s11, $0xb8;
	[tilespmem:$0x19C80] =	vst v63  }
0x4c: {  	s19 =	simm.s32 $0x898;
	s20 =	simm.s32 $0x11F80  }
0x4d: {  	[tilespmem:s20], [sflag:$0x1] =	stream.indirect.gather [hbm4b:s3+s11], $0x20, s19, s11, $0xb8;
	[tilespmem:$0x19C80] =	vst v63  }
0x4e: {  	s19 =	simm.s32 $0x960;
	s20 =	simm.s32 $0x13880  }
0x4f: {  	[tilespmem:s20], [sflag:$0x1] =	stream.indirect.gather [hbm4b:s3+s11], $0x20, s19, s11, $0xb8;
	[tilespmem:$0x19C80] =	vst v63  }
0x50: {  	s19 =	simm.s32 $0xA28;
	s20 =	simm.s32 $0x15180  }
0x51: {  	[tilespmem:s20], [sflag:$0x1] =	stream.indirect.gather [hbm4b:s3+s11], $0x20, s19, s11, $0xb8;
	[tilespmem:$0x19C80] =	vst v63  }
0x52: {  	s19 =	simm.s32 $0xAF0;
	s20 =	simm.s32 $0x16A80  }
0x53: {  	[tilespmem:s20], [sflag:$0x1] =	stream.indirect.gather [hbm4b:s3+s11], $0x20, s19, s11, $0xb8;
	[tilespmem:$0x19C80] =	vst v63  }
0x54: {  	s19 =	simm.s32 $0xBB8;
	s20 =	simm.s32 $0x18380  }
0x55: {  	[tilespmem:s20], [sflag:$0x1] =	stream.indirect.gather [hbm4b:s3+s11], $0x20, s19, s11, $0xb8;
	[tilespmem:$0x19C80] =	vst v63  }
0x56: {  	_ =	swait.ge [sflag:s26], $0x1900  }
0x57: {  	[sflag:s26] =	ssyncset.done $0x0  }
0x58: {  	[sflag:s26] =	ssyncadd.s32 $0xFFFFE700  }
0x59: {  	_ =	swait.ge [sflag:s26], $0x1900  }
0x5a: {  	[sflag:s26] =	ssyncset.done $0x0  }
0x5b: {  	[sflag:s26] =	ssyncadd.s32 $0xFFFFE700  }
0x5c: {  	_ =	swait.ge [sflag:s26], $0x1900  }
0x5d: {  	[sflag:s26] =	ssyncset.done $0x0  }
0x5e: {  	[sflag:s26] =	ssyncadd.s32 $0xFFFFE700  }
0x5f: {  	_ =	swait.ge [sflag:s26], $0x1900  }
0x60: {  	[sflag:s26] =	ssyncset.done $0x0  }
0x61: {  	[sflag:s26] =	ssyncadd.s32 $0xFFFFE700  }
0x62: {  	_ =	swait.ge [sflag:s26], $0x1900  }
0x63: {  	[sflag:s26] =	ssyncset.done $0x0  }
0x64: {  	[sflag:s26] =	ssyncadd.s32 $0xFFFFE700  }
0x65: {  	_ =	swait.ge [sflag:s26], $0x1900  }
0x66: {  	[sflag:s26] =	ssyncset.done $0x0  }
0x67: {  	[sflag:s26] =	ssyncadd.s32 $0xFFFFE700  }
0x68: {  	_ =	swait.ge [sflag:s26], $0x1900  }
0x69: {  	[sflag:s26] =	ssyncset.done $0x0  }
0x6a: {  	[sflag:s26] =	ssyncadd.s32 $0xFFFFE700  }
0x6b: {  	_ =	swait.ge [sflag:s26], $0x1900  }
0x6c: {  	[sflag:s26] =	ssyncset.done $0x0;
	s1 =	rddreg [dreg:$0x3]  }
0x6d: {  	s20 =	rddreg [dreg:$0x7];
	[sflag:s26] =	ssyncadd.s32 $0xFFFFE700;
	s19 =	sadd.s32 $0x0, s1  }
0x6e: {  	[hbm4b:s20+s2] =	stream.linear.scatter [tilespmem:s29], [sflag:$0x3], $0xC800, $0x38;
	[tilespmem:$0x19C80] =	vst v63  }
0x6f: {  	s6 =	sadd.s32 $0x190, s19  }
0x70: {  	[tilespmem:s2], [sflag:$0x4] =	stream.linear.gather [hbm4b:s6+s2], $0x640, $0x38;
	[tilespmem:$0x19C80] =	vst v63  }
0x71: {  	_ =	swait.ge [sflag:s10], $0x640  }
0x72: {  	[sflag:s10] =	ssyncset.done $0x0  }
0x73: {  	[sflag:s10] =	ssyncadd.s32 $0xFFFFF9C0  }
0x74: {  	_ =	swait.ge [sflag:s17], $0xC800  }
0x75: {  	[sflag:s17] =	ssyncset.done $0x0  }
0x76: {  	[sflag:s17] =	ssyncadd.s32 $0xFFFF3800  }
0x77: {  	[tilespmem:s12], [sflag:$0x1] =	stream.indirect.gather [hbm4b:s3+s11], $0x20, s2, s11, $0xb8;
	[tilespmem:$0x19C80] =	vst v63  }
0x78: {  	_ = 	snop  }
0x79: {  	[tilespmem:s0], [sflag:$0x1] =	stream.indirect.gather [hbm4b:s3+s11], $0x20, s11, s11, $0xb8;
	[tilespmem:$0x19C80] =	vst v63  }
0x7a: {  	_ = 	snop  }
0x7b: {  	[tilespmem:s23], [sflag:$0x1] =	stream.indirect.gather [hbm4b:s3+s11], $0x20, s4, s11, $0xb8;
	[tilespmem:$0x19C80] =	vst v63  }
0x7c: {  	_ = 	snop  }
0x7d: {  	[tilespmem:s25], [sflag:$0x1] =	stream.indirect.gather [hbm4b:s3+s11], $0x20, s5, s11, $0xb8;
	[tilespmem:$0x19C80] =	vst v63  }
0x7e: {  	_ = 	snop  }
0x7f: {  	[tilespmem:s21], [sflag:$0x1] =	stream.indirect.gather [hbm4b:s3+s11], $0x20, s7, s11, $0xb8;
	[tilespmem:$0x19C80] =	vst v63  }
0x80: {  	_ = 	snop  }
0x81: {  	[tilespmem:s22], [sflag:$0x1] =	stream.indirect.gather [hbm4b:s3+s11], $0x20, s9, s11, $0xb8;
	[tilespmem:$0x19C80] =	vst v63  }
0x82: {  	_ = 	snop  }
0x83: {  	[tilespmem:s24], [sflag:$0x1] =	stream.indirect.gather [hbm4b:s3+s11], $0x20, s14, s11, $0xb8;
	[tilespmem:$0x19C80] =	vst v63  }
0x84: {  	s22 =	simm.s32 $0xBB80  }
0x85: {  	[tilespmem:s22], [sflag:$0x1] =	stream.indirect.gather [hbm4b:s3+s11], $0x20, s16, s11, $0xb8;
	[tilespmem:$0x19C80] =	vst v63  }
0x86: {  	_ =	swait.ge [sflag:s26], $0x1900  }
0x87: {  	[sflag:s26] =	ssyncset.done $0x0  }
0x88: {  	[sflag:s26] =	ssyncadd.s32 $0xFFFFE700  }
0x89: {  	_ =	swait.ge [sflag:s26], $0x1900  }
0x8a: {  	[sflag:s26] =	ssyncset.done $0x0  }
0x8b: {  	[sflag:s26] =	ssyncadd.s32 $0xFFFFE700  }
0x8c: {  	_ =	swait.ge [sflag:s26], $0x1900  }
0x8d: {  	[sflag:s26] =	ssyncset.done $0x0  }
0x8e: {  	[sflag:s26] =	ssyncadd.s32 $0xFFFFE700  }
0x8f: {  	_ =	swait.ge [sflag:s26], $0x1900  }
0x90: {  	[sflag:s26] =	ssyncset.done $0x0  }
0x91: {  	[sflag:s26] =	ssyncadd.s32 $0xFFFFE700  }
0x92: {  	_ =	swait.ge [sflag:s26], $0x1900  }
0x93: {  	[sflag:s26] =	ssyncset.done $0x0  }
0x94: {  	[sflag:s26] =	ssyncadd.s32 $0xFFFFE700  }
0x95: {  	_ =	swait.ge [sflag:s26], $0x1900  }
0x96: {  	[sflag:s26] =	ssyncset.done $0x0  }
0x97: {  	[sflag:s26] =	ssyncadd.s32 $0xFFFFE700  }
0x98: {  	_ =	swait.ge [sflag:s26], $0x1900  }
0x99: {  	[sflag:s26] =	ssyncset.done $0x0  }
0x9a: {  	[sflag:s26] =	ssyncadd.s32 $0xFFFFE700  }
0x9b: {  	_ =	swait.ge [sflag:s26], $0x1900  }
0x9c: {  	[sflag:s26] =	ssyncset.done $0x0;
	s22 =	rddreg [dreg:$0x9]  }
0x9d: {  	[sflag:s26] =	ssyncadd.s32 $0xFFFFE700;
	s23 =	sadd.s32 $0xFFFFE700, s22  }
0x9e: {  	[hbm4b:s23+s2] =	stream.linear.scatter [tilespmem:s12], [sflag:$0x2], $0xC800, $0x38;
	[tilespmem:$0x19C80] =	vst v63  }
0x9f: {  	s19 =	sadd.s32 $0x258, s19  }
0xa0: {  	[tilespmem:s28], [sflag:$0x4] =	stream.linear.gather [hbm4b:s19+s2], $0x640, $0x38;
	[tilespmem:$0x19C80] =	vst v63  }
0xa1: {  	_ =	swait.ge [sflag:s10], $0x640  }
0xa2: {  	[sflag:s10] =	ssyncset.done $0x0  }
0xa3: {  	[sflag:s10] =	ssyncadd.s32 $0xFFFFF9C0  }
0xa4: {  	_ =	swait.ge [sflag:s18], $0xC800  }
0xa5: {  	[sflag:s18] =	ssyncset.done $0x0  }
0xa6: {  	[sflag:s18] =	ssyncadd.s32 $0xFFFF3800  }
0xa7: {  	[tilespmem:s29], [sflag:$0x1] =	stream.indirect.gather [hbm4b:s3+s11], $0x20, s28, s11, $0xb8;
	[tilespmem:$0x19C80] =	vst v63  }
0xa8: {  	s25 =	simm.s32 $0xED80;
	s24 =	simm.s32 $0x708  }
0xa9: {  	[tilespmem:s25], [sflag:$0x1] =	stream.indirect.gather [hbm4b:s3+s11], $0x20, s24, s11, $0xb8;
	[tilespmem:$0x19C80] =	vst v63  }
0xaa: {  	s21 =	simm.s32 $0x7D0;
	s23 =	simm.s32 $0x10680  }
0xab: {  	[tilespmem:s23], [sflag:$0x1] =	stream.indirect.gather [hbm4b:s3+s11], $0x20, s21, s11, $0xb8;
	[tilespmem:$0x19C80] =	vst v63  }
0xac: {  	s24 =	simm.s32 $0x898;
	s25 =	simm.s32 $0x11F80  }
0xad: {  	[tilespmem:s25], [sflag:$0x1] =	stream.indirect.gather [hbm4b:s3+s11], $0x20, s24, s11, $0xb8;
	[tilespmem:$0x19C80] =	vst v63  }
0xae: {  	s21 =	simm.s32 $0x960;
	s23 =	simm.s32 $0x13880  }
0xaf: {  	[tilespmem:s23], [sflag:$0x1] =	stream.indirect.gather [hbm4b:s3+s11], $0x20, s21, s11, $0xb8;
	[tilespmem:$0x19C80] =	vst v63  }
0xb0: {  	s24 =	simm.s32 $0xA28;
	s25 =	simm.s32 $0x15180  }
0xb1: {  	[tilespmem:s25], [sflag:$0x1] =	stream.indirect.gather [hbm4b:s3+s11], $0x20, s24, s11, $0xb8;
	[tilespmem:$0x19C80] =	vst v63  }
0xb2: {  	s21 =	simm.s32 $0xAF0;
	s23 =	simm.s32 $0x16A80  }
0xb3: {  	[tilespmem:s23], [sflag:$0x1] =	stream.indirect.gather [hbm4b:s3+s11], $0x20, s21, s11, $0xb8;
	[tilespmem:$0x19C80] =	vst v63  }
0xb4: {  	s24 =	simm.s32 $0xBB8;
	s25 =	simm.s32 $0x18380  }
0xb5: {  	[tilespmem:s25], [sflag:$0x1] =	stream.indirect.gather [hbm4b:s3+s11], $0x20, s24, s11, $0xb8;
	[tilespmem:$0x19C80] =	vst v63  }
0xb6: {  	_ =	swait.ge [sflag:s26], $0x1900  }
0xb7: {  	[sflag:s26] =	ssyncset.done $0x0  }
0xb8: {  	[sflag:s26] =	ssyncadd.s32 $0xFFFFE700  }
0xb9: {  	_ =	swait.ge [sflag:s26], $0x1900  }
0xba: {  	[sflag:s26] =	ssyncset.done $0x0  }
0xbb: {  	[sflag:s26] =	ssyncadd.s32 $0xFFFFE700  }
0xbc: {  	_ =	swait.ge [sflag:s26], $0x1900  }
0xbd: {  	[sflag:s26] =	ssyncset.done $0x0  }
0xbe: {  	[sflag:s26] =	ssyncadd.s32 $0xFFFFE700  }
0xbf: {  	_ =	swait.ge [sflag:s26], $0x1900  }
0xc0: {  	[sflag:s26] =	ssyncset.done $0x0  }
0xc1: {  	[sflag:s26] =	ssyncadd.s32 $0xFFFFE700  }
0xc2: {  	_ =	swait.ge [sflag:s26], $0x1900  }
0xc3: {  	[sflag:s26] =	ssyncset.done $0x0  }
0xc4: {  	[sflag:s26] =	ssyncadd.s32 $0xFFFFE700  }
0xc5: {  	_ =	swait.ge [sflag:s26], $0x1900  }
0xc6: {  	[sflag:s26] =	ssyncset.done $0x0  }
0xc7: {  	s1 =	simm.s32 $0x3E80;
	[sflag:s26] =	ssyncadd.s32 $0xFFFFE700  }
0xc8: {  	s20 =	simm.s32 $0x190;
	s6 =	simm.s32 $0x7080;
	_ =	swait.ge [sflag:s26], $0x1900  }
0xc9: {  	s0 =	simm.s32 $0xED80;
	s4 =	simm.s32 $0x5780;
	[sflag:s26] =	ssyncset.done $0x0  }
0xca: {  	s5 =	simm.s32 $0x320;
	s7 =	simm.s32 $0x3E8;
	[sflag:s26] =	ssyncadd.s32 $0xFFFFE700  }
0xcb: {  	s9 =	simm.s32 $0x4B0;
	s14 =	simm.s32 $0x578;
	_ =	swait.ge [sflag:s26], $0x1900  }
0xcc: {  	s16 =	simm.s32 $0x708;
	s19 =	sadd.s32 $0x3200, s22;
	[sflag:s26] =	ssyncset.done $0x0  }
0xcd: {  	s21 =	simm.s32 $0x320;
	s23 =	rddreg [dreg:$0x3];
	[sflag:s26] =	ssyncadd.s32 $0xFFFFE700  }
.LBB2_2:
0xce: {  	[hbm4b:s22+s2] =	stream.linear.scatter [tilespmem:s29], [sflag:$0x3], $0xC800, $0x38;
	[tilespmem:$0x19C80] =	vst v63  }
0xcf: {  	s23 =	sadd.s32 s20, s23  }
0xd0: {  	s25 =	sadd.s32 $0x190, s23  }
0xd1: {  	[tilespmem:s2], [sflag:$0x4] =	stream.linear.gather [hbm4b:s25+s2], $0x640, $0x38;
	[tilespmem:$0x19C80] =	vst v63  }
0xd2: {  	_ =	swait.ge [sflag:s10], $0x640  }
0xd3: {  	[sflag:s10] =	ssyncset.done $0x0  }
0xd4: {  	[sflag:s10] =	ssyncadd.s32 $0xFFFFF9C0  }
0xd5: {  	_ =	swait.ge [sflag:s17], $0xC800  }
0xd6: {  	[sflag:s17] =	ssyncset.done $0x0  }
0xd7: {  	[sflag:s17] =	ssyncadd.s32 $0xFFFF3800  }
0xd8: {  	[tilespmem:s12], [sflag:$0x1] =	stream.indirect.gather [hbm4b:s3+s11], $0x20, s2, s11, $0xb8;
	[tilespmem:$0x19C80] =	vst v63  }
0xd9: {  	_ = 	snop  }
0xda: {  	[tilespmem:s30], [sflag:$0x1] =	stream.indirect.gather [hbm4b:s3+s11], $0x20, s11, s11, $0xb8;
	[tilespmem:$0x19C80] =	vst v63  }
0xdb: {  	_ = 	snop  }
0xdc: {  	[tilespmem:s1], [sflag:$0x1] =	stream.indirect.gather [hbm4b:s3+s11], $0x20, s31, s11, $0xb8;
	[tilespmem:$0x19C80] =	vst v63  }
0xdd: {  	s25 =	simm.s32 $0x258  }
0xde: {  	[tilespmem:s4], [sflag:$0x1] =	stream.indirect.gather [hbm4b:s3+s11], $0x20, s25, s11, $0xb8;
	[tilespmem:$0x19C80] =	vst v63  }
0xdf: {  	_ = 	snop  }
0xe0: {  	[tilespmem:s6], [sflag:$0x1] =	stream.indirect.gather [hbm4b:s3+s11], $0x20, s5, s11, $0xb8;
	[tilespmem:$0x19C80] =	vst v63  }
0xe1: {  	_ = 	snop  }
0xe2: {  	[tilespmem:s8], [sflag:$0x1] =	stream.indirect.gather [hbm4b:s3+s11], $0x20, s7, s11, $0xb8;
	[tilespmem:$0x19C80] =	vst v63  }
0xe3: {  	_ = 	snop  }
0xe4: {  	[tilespmem:s13], [sflag:$0x1] =	stream.indirect.gather [hbm4b:s3+s11], $0x20, s9, s11, $0xb8;
	[tilespmem:$0x19C80] =	vst v63  }
0xe5: {  	_ = 	snop  }
0xe6: {  	[tilespmem:s15], [sflag:$0x1] =	stream.indirect.gather [hbm4b:s3+s11], $0x20, s14, s11, $0xb8;
	[tilespmem:$0x19C80] =	vst v63  }
0xe7: {  	_ =	swait.ge [sflag:s26], $0x1900  }
0xe8: {  	[sflag:s26] =	ssyncset.done $0x0  }
0xe9: {  	[sflag:s26] =	ssyncadd.s32 $0xFFFFE700  }
0xea: {  	_ =	swait.ge [sflag:s26], $0x1900  }
0xeb: {  	[sflag:s26] =	ssyncset.done $0x0  }
0xec: {  	[sflag:s26] =	ssyncadd.s32 $0xFFFFE700  }
0xed: {  	_ =	swait.ge [sflag:s26], $0x1900  }
0xee: {  	[sflag:s26] =	ssyncset.done $0x0  }
0xef: {  	[sflag:s26] =	ssyncadd.s32 $0xFFFFE700  }
0xf0: {  	_ =	swait.ge [sflag:s26], $0x1900  }
0xf1: {  	[sflag:s26] =	ssyncset.done $0x0  }
0xf2: {  	[sflag:s26] =	ssyncadd.s32 $0xFFFFE700  }
0xf3: {  	_ =	swait.ge [sflag:s26], $0x1900  }
0xf4: {  	[sflag:s26] =	ssyncset.done $0x0  }
0xf5: {  	[sflag:s26] =	ssyncadd.s32 $0xFFFFE700  }
0xf6: {  	_ =	swait.ge [sflag:s26], $0x1900  }
0xf7: {  	[sflag:s26] =	ssyncset.done $0x0  }
0xf8: {  	[sflag:s26] =	ssyncadd.s32 $0xFFFFE700  }
0xf9: {  	_ =	swait.ge [sflag:s26], $0x1900  }
0xfa: {  	[sflag:s26] =	ssyncset.done $0x0  }
0xfb: {  	[sflag:s26] =	ssyncadd.s32 $0xFFFFE700  }
0xfc: {  	_ =	swait.ge [sflag:s26], $0x1900  }
0xfd: {  	[sflag:s26] =	ssyncset.done $0x0  }
0xfe: {  	s25 =	sadd.s32 $0xFFFFE700, s19;
	[sflag:s26] =	ssyncadd.s32 $0xFFFFE700  }
0xff: {  	[hbm4b:s25+s2] =	stream.linear.scatter [tilespmem:s12], [sflag:$0x2], $0xC800, $0x38;
	[tilespmem:$0x19C80] =	vst v63  }
0x100: {  	s23 =	sadd.s32 $0x258, s23  }
0x101: {  	[tilespmem:s28], [sflag:$0x4] =	stream.linear.gather [hbm4b:s23+s2], $0x640, $0x38;
	[tilespmem:$0x19C80] =	vst v63  }
0x102: {  	_ =	swait.ge [sflag:s10], $0x640  }
0x103: {  	[sflag:s10] =	ssyncset.done $0x0  }
0x104: {  	[sflag:s10] =	ssyncadd.s32 $0xFFFFF9C0  }
0x105: {  	_ =	swait.ge [sflag:s18], $0xC800  }
0x106: {  	[sflag:s18] =	ssyncset.done $0x0  }
0x107: {  	[sflag:s18] =	ssyncadd.s32 $0xFFFF3800  }
0x108: {  	[tilespmem:s29], [sflag:$0x1] =	stream.indirect.gather [hbm4b:s3+s11], $0x20, s28, s11, $0xb8;
	[tilespmem:$0x19C80] =	vst v63  }
0x109: {  	s24 =	smov.u32 s21  }
0x10a: {  	[tilespmem:s0], [sflag:$0x1] =	stream.indirect.gather [hbm4b:s3+s11], $0x20, s16, s11, $0xb8;
	[tilespmem:$0x19C80] =	vst v63  }
0x10b: {  	s20 =	smov.u32 s24;
	s24 =	simm.s32 $0x7D0;
	s25 =	simm.s32 $0x10680  }
0x10c: {  	[tilespmem:s25], [sflag:$0x1] =	stream.indirect.gather [hbm4b:s3+s11], $0x20, s24, s11, $0xb8;
	[tilespmem:$0x19C80] =	vst v63  }
0x10d: {  	s24 =	simm.s32 $0x898;
	s25 =	simm.s32 $0x11F80  }
0x10e: {  	[tilespmem:s25], [sflag:$0x1] =	stream.indirect.gather [hbm4b:s3+s11], $0x20, s24, s11, $0xb8;
	[tilespmem:$0x19C80] =	vst v63  }
0x10f: {  	s24 =	simm.s32 $0x960;
	s25 =	simm.s32 $0x13880  }
0x110: {  	[tilespmem:s25], [sflag:$0x1] =	stream.indirect.gather [hbm4b:s3+s11], $0x20, s24, s11, $0xb8;
	[tilespmem:$0x19C80] =	vst v63  }
0x111: {  	s24 =	simm.s32 $0xA28;
	s25 =	simm.s32 $0x15180  }
0x112: {  	[tilespmem:s25], [sflag:$0x1] =	stream.indirect.gather [hbm4b:s3+s11], $0x20, s24, s11, $0xb8;
	[tilespmem:$0x19C80] =	vst v63  }
0x113: {  	s24 =	simm.s32 $0xAF0;
	s25 =	simm.s32 $0x16A80  }
0x114: {  	[tilespmem:s25], [sflag:$0x1] =	stream.indirect.gather [hbm4b:s3+s11], $0x20, s24, s11, $0xb8;
	[tilespmem:$0x19C80] =	vst v63  }
0x115: {  	s24 =	simm.s32 $0xBB8;
	s25 =	simm.s32 $0x18380  }
0x116: {  	[tilespmem:s25], [sflag:$0x1] =	stream.indirect.gather [hbm4b:s3+s11], $0x20, s24, s11, $0xb8;
	[tilespmem:$0x19C80] =	vst v63  }
0x117: {  	_ =	swait.ge [sflag:s26], $0x1900  }
0x118: {  	[sflag:s26] =	ssyncset.done $0x0  }
0x119: {  	[sflag:s26] =	ssyncadd.s32 $0xFFFFE700  }
0x11a: {  	_ =	swait.ge [sflag:s26], $0x1900  }
0x11b: {  	[sflag:s26] =	ssyncset.done $0x0  }
0x11c: {  	[sflag:s26] =	ssyncadd.s32 $0xFFFFE700  }
0x11d: {  	_ =	swait.ge [sflag:s26], $0x1900  }
0x11e: {  	[sflag:s26] =	ssyncset.done $0x0  }
0x11f: {  	[sflag:s26] =	ssyncadd.s32 $0xFFFFE700  }
0x120: {  	_ =	swait.ge [sflag:s26], $0x1900  }
0x121: {  	[sflag:s26] =	ssyncset.done $0x0  }
0x122: {  	[sflag:s26] =	ssyncadd.s32 $0xFFFFE700  }
0x123: {  	_ =	swait.ge [sflag:s26], $0x1900  }
0x124: {  	[sflag:s26] =	ssyncset.done $0x0  }
0x125: {  	[sflag:s26] =	ssyncadd.s32 $0xFFFFE700  }
0x126: {  	_ =	swait.ge [sflag:s26], $0x1900  }
0x127: {  	[sflag:s26] =	ssyncset.done $0x0  }
0x128: {  	[sflag:s26] =	ssyncadd.s32 $0xFFFFE700  }
0x129: {  	p0 =	sne.s32 s21, $0x960;
	_ =	swait.ge [sflag:s26], $0x1900  }
.Ltmp0:
0x12a: {  	[sflag:s26] =	ssyncset.done $0x0;
	(pc) =	sbr.rel @p0 .LBB2_2-.Ltmp0, $4  }
0x12b: {  	[sflag:s26] =	ssyncadd.s32 $0xFFFFE700  }
0x12c: {  	_ =	swait.ge [sflag:s26], $0x1900  }
0x12d: {  	s22 =	smov.u32 s19;
	s21 =	sadd.s32 $0x190, s21;
	[sflag:s26] =	ssyncset.done $0x0  }
0x12e: {  	s19 =	sadd.s32 $0x3200, s19;
	s23 =	rddreg [dreg:$0x3];
	[sflag:s26] =	ssyncadd.s32 $0xFFFFE700  }
0x12f: {  	[hbm4b:s22+s2] =	stream.linear.scatter [tilespmem:s29], [sflag:$0x3], $0xC800, $0x38;
	[tilespmem:$0x19C80] =	vst v63  }
0x130: {  	s20 =	sadd.s32 s20, s23  }
0x131: {  	s21 =	sadd.s32 $0x190, s20  }
0x132: {  	[tilespmem:s2], [sflag:$0x4] =	stream.linear.gather [hbm4b:s21+s2], $0x640, $0x38;
	[tilespmem:$0x19C80] =	vst v63  }
0x133: {  	_ =	swait.ge [sflag:s10], $0x640  }
0x134: {  	[sflag:s10] =	ssyncset.done $0x0  }
0x135: {  	[sflag:s10] =	ssyncadd.s32 $0xFFFFF9C0  }
0x136: {  	_ =	swait.ge [sflag:s17], $0xC800  }
0x137: {  	[sflag:s17] =	ssyncset.done $0x0  }
0x138: {  	[sflag:s17] =	ssyncadd.s32 $0xFFFF3800  }
0x139: {  	[tilespmem:s12], [sflag:$0x1] =	stream.indirect.gather [hbm4b:s3+s11], $0x20, s2, s11, $0xb8;
	[tilespmem:$0x19C80] =	vst v63  }
0x13a: {  	_ = 	snop  }
0x13b: {  	[tilespmem:s30], [sflag:$0x1] =	stream.indirect.gather [hbm4b:s3+s11], $0x20, s11, s11, $0xb8;
	[tilespmem:$0x19C80] =	vst v63  }
0x13c: {  	_ = 	snop  }
0x13d: {  	[tilespmem:s1], [sflag:$0x1] =	stream.indirect.gather [hbm4b:s3+s11], $0x20, s31, s11, $0xb8;
	[tilespmem:$0x19C80] =	vst v63  }
0x13e: {  	s24 =	simm.s32 $0x258  }
0x13f: {  	[tilespmem:s4], [sflag:$0x1] =	stream.indirect.gather [hbm4b:s3+s11], $0x20, s24, s11, $0xb8;
	[tilespmem:$0x19C80] =	vst v63  }
0x140: {  	_ = 	snop  }
0x141: {  	[tilespmem:s6], [sflag:$0x1] =	stream.indirect.gather [hbm4b:s3+s11], $0x20, s5, s11, $0xb8;
	[tilespmem:$0x19C80] =	vst v63  }
0x142: {  	_ = 	snop  }
0x143: {  	[tilespmem:s8], [sflag:$0x1] =	stream.indirect.gather [hbm4b:s3+s11], $0x20, s7, s11, $0xb8;
	[tilespmem:$0x19C80] =	vst v63  }
0x144: {  	_ = 	snop  }
0x145: {  	[tilespmem:s13], [sflag:$0x1] =	stream.indirect.gather [hbm4b:s3+s11], $0x20, s9, s11, $0xb8;
	[tilespmem:$0x19C80] =	vst v63  }
0x146: {  	_ = 	snop  }
0x147: {  	[tilespmem:s15], [sflag:$0x1] =	stream.indirect.gather [hbm4b:s3+s11], $0x20, s14, s11, $0xb8;
	[tilespmem:$0x19C80] =	vst v63  }
0x148: {  	_ =	swait.ge [sflag:s26], $0x1900  }
0x149: {  	[sflag:s26] =	ssyncset.done $0x0  }
0x14a: {  	[sflag:s26] =	ssyncadd.s32 $0xFFFFE700  }
0x14b: {  	_ =	swait.ge [sflag:s26], $0x1900  }
0x14c: {  	[sflag:s26] =	ssyncset.done $0x0  }
0x14d: {  	[sflag:s26] =	ssyncadd.s32 $0xFFFFE700  }
0x14e: {  	_ =	swait.ge [sflag:s26], $0x1900  }
0x14f: {  	[sflag:s26] =	ssyncset.done $0x0  }
0x150: {  	[sflag:s26] =	ssyncadd.s32 $0xFFFFE700  }
0x151: {  	_ =	swait.ge [sflag:s26], $0x1900  }
0x152: {  	[sflag:s26] =	ssyncset.done $0x0  }
0x153: {  	[sflag:s26] =	ssyncadd.s32 $0xFFFFE700  }
0x154: {  	_ =	swait.ge [sflag:s26], $0x1900  }
0x155: {  	[sflag:s26] =	ssyncset.done $0x0  }
0x156: {  	[sflag:s26] =	ssyncadd.s32 $0xFFFFE700  }
0x157: {  	_ =	swait.ge [sflag:s26], $0x1900  }
0x158: {  	[sflag:s26] =	ssyncset.done $0x0  }
0x159: {  	[sflag:s26] =	ssyncadd.s32 $0xFFFFE700  }
0x15a: {  	_ =	swait.ge [sflag:s26], $0x1900  }
0x15b: {  	[sflag:s26] =	ssyncset.done $0x0  }
0x15c: {  	[sflag:s26] =	ssyncadd.s32 $0xFFFFE700  }
0x15d: {  	_ =	swait.ge [sflag:s26], $0x1900  }
0x15e: {  	[sflag:s26] =	ssyncset.done $0x0  }
0x15f: {  	s25 =	sadd.s32 $0xFFFFE700, s19;
	[sflag:s26] =	ssyncadd.s32 $0xFFFFE700  }
0x160: {  	[hbm4b:s25+s2] =	stream.linear.scatter [tilespmem:s12], [sflag:$0x2], $0xC800, $0x38;
	[tilespmem:$0x19C80] =	vst v63  }
0x161: {  	s20 =	sadd.s32 $0x258, s20  }
0x162: {  	[tilespmem:s28], [sflag:$0x4] =	stream.linear.gather [hbm4b:s20+s2], $0x640, $0x38;
	[tilespmem:$0x19C80] =	vst v63  }
0x163: {  	_ =	swait.ge [sflag:s10], $0x640  }
0x164: {  	[sflag:s10] =	ssyncset.done $0x0  }
0x165: {  	[sflag:s10] =	ssyncadd.s32 $0xFFFFF9C0  }
0x166: {  	_ =	swait.ge [sflag:s18], $0xC800  }
0x167: {  	[sflag:s18] =	ssyncset.done $0x0  }
0x168: {  	[sflag:s18] =	ssyncadd.s32 $0xFFFF3800  }
0x169: {  	[tilespmem:s29], [sflag:$0x1] =	stream.indirect.gather [hbm4b:s3+s11], $0x20, s28, s11, $0xb8;
	[tilespmem:$0x19C80] =	vst v63  }
0x16a: {  	_ = 	snop  }
0x16b: {  	[tilespmem:s0], [sflag:$0x1] =	stream.indirect.gather [hbm4b:s3+s11], $0x20, s16, s11, $0xb8;
	[tilespmem:$0x19C80] =	vst v63  }
0x16c: {  	s1 =	simm.s32 $0x7D0;
	s4 =	simm.s32 $0x10680  }
0x16d: {  	[tilespmem:s4], [sflag:$0x1] =	stream.indirect.gather [hbm4b:s3+s11], $0x20, s1, s11, $0xb8;
	[tilespmem:$0x19C80] =	vst v63  }
0x16e: {  	s5 =	simm.s32 $0x898;
	s6 =	simm.s32 $0x11F80  }
0x16f: {  	[tilespmem:s6], [sflag:$0x1] =	stream.indirect.gather [hbm4b:s3+s11], $0x20, s5, s11, $0xb8;
	[tilespmem:$0x19C80] =	vst v63  }
0x170: {  	s7 =	simm.s32 $0x960;
	s9 =	simm.s32 $0x13880  }
0x171: {  	[tilespmem:s9], [sflag:$0x1] =	stream.indirect.gather [hbm4b:s3+s11], $0x20, s7, s11, $0xb8;
	[tilespmem:$0x19C80] =	vst v63  }
0x172: {  	s14 =	simm.s32 $0xA28;
	s16 =	simm.s32 $0x15180  }
0x173: {  	[tilespmem:s16], [sflag:$0x1] =	stream.indirect.gather [hbm4b:s3+s11], $0x20, s14, s11, $0xb8;
	[tilespmem:$0x19C80] =	vst v63  }
0x174: {  	s21 =	simm.s32 $0x16A80;
	s20 =	simm.s32 $0xAF0  }
0x175: {  	[tilespmem:s21], [sflag:$0x1] =	stream.indirect.gather [hbm4b:s3+s11], $0x20, s20, s11, $0xb8;
	[tilespmem:$0x19C80] =	vst v63  }
0x176: {  	s22 =	simm.s32 $0xBB8;
	s23 =	simm.s32 $0x18380  }
0x177: {  	[tilespmem:s23], [sflag:$0x1] =	stream.indirect.gather [hbm4b:s3+s11], $0x20, s22, s11, $0xb8;
	[tilespmem:$0x19C80] =	vst v63  }
0x178: {  	_ =	swait.ge [sflag:s26], $0x1900  }
0x179: {  	[sflag:s26] =	ssyncset.done $0x0  }
0x17a: {  	[sflag:s26] =	ssyncadd.s32 $0xFFFFE700  }
0x17b: {  	_ =	swait.ge [sflag:s26], $0x1900  }
0x17c: {  	[sflag:s26] =	ssyncset.done $0x0  }
0x17d: {  	[sflag:s26] =	ssyncadd.s32 $0xFFFFE700  }
0x17e: {  	_ =	swait.ge [sflag:s26], $0x1900  }
0x17f: {  	[sflag:s26] =	ssyncset.done $0x0  }
0x180: {  	[sflag:s26] =	ssyncadd.s32 $0xFFFFE700  }
0x181: {  	_ =	swait.ge [sflag:s26], $0x1900  }
0x182: {  	[sflag:s26] =	ssyncset.done $0x0  }
0x183: {  	[sflag:s26] =	ssyncadd.s32 $0xFFFFE700  }
0x184: {  	_ =	swait.ge [sflag:s26], $0x1900  }
0x185: {  	[sflag:s26] =	ssyncset.done $0x0  }
0x186: {  	[sflag:s26] =	ssyncadd.s32 $0xFFFFE700  }
0x187: {  	_ =	swait.ge [sflag:s26], $0x1900  }
0x188: {  	[sflag:s26] =	ssyncset.done $0x0  }
0x189: {  	[sflag:s26] =	ssyncadd.s32 $0xFFFFE700  }
0x18a: {  	_ =	swait.ge [sflag:s26], $0x1900  }
0x18b: {  	[sflag:s26] =	ssyncset.done $0x0  }
0x18c: {  	[sflag:s26] =	ssyncadd.s32 $0xFFFFE700  }
0x18d: {  	_ =	swait.ge [sflag:s26], $0x1900  }
0x18e: {  	[sflag:s26] =	ssyncset.done $0x0  }
0x18f: {  	[sflag:s26] =	ssyncadd.s32 $0xFFFFE700  }
0x190: {  	[hbm4b:s19+s2] =	stream.linear.scatter [tilespmem:s29], [sflag:$0x3], $0xC800, $0x38;
	[tilespmem:$0x19C80] =	vst v63  }
0x191: {  	_ =	swait.ge [sflag:s17], $0xC800  }
0x192: {  	[sflag:s17] =	ssyncset.done $0x0  }
0x193: {  	[sflag:s17] =	ssyncadd.s32 $0xFFFF3800  }
0x194: {  	_ =	swait.ge [sflag:s18], $0xC800  }
0x195: {  	s24 =	rddreg [dreg:$0xa]  }
0x196: {  	s25 =	rddreg [dreg:$0x8];
	s0 =	sadd.s32 $0x1, s24  }
0x197: {  	p0 =	sne.s32 s0, s25  }
.Ltmp1:
0x198: {  	_ = 	snop;
	(pc) =	sbr.rel @p0 .LBB2_1-.Ltmp1, $3  }
0x199: {  	_ =	sdelay $0x1  }
0x19a: {  	[sflag:s18] =	ssyncset.done $0x0  }
0x19b: {  	[sflag:s18] =	ssyncadd.s32 $0xFFFF3800  }
0x19c: {  	_ =	sfence.sel $0x180000  }
0x19d: {  	[bflag:$0x0] =	sbarrier.arrive $0xFFFF  }
0x19e: {  	_ =	strace $0x90000047  }
0x19f: {  	s0 =	stileid.u32;
	[bflag:$0x2] =	sbarrier.arrive $0xFFFF  }
0x1a0: {  	p0 =	sne.s32 s0, $0x0;
	s0 =	rddreg [dreg:$0x2]  }
0x1a1: {  	s0 =	sadd.s32 @!p0 $0x100000, s0  }
0x1a2: {  	[sflag:s0] =	ssyncadd.tile.s32 @!p0 $0x1;
	_ =	shalt  }
.Lfunc_end2:
_tile_overlayer_lowered:
.L_overlay_start_2:
0x1a3: {  	(tag) =	ssettag $0x2  }
0x1a4: {  	s0 =	rddreg [dreg:$0x0];
	s2 =	stileid.u32  }
0x1a5: {  	s1 =	rddreg [dreg:$0x1];
	p0 =	sne.s32 s2, $0x0  }
0x1a6: {  	s3 =	rddreg [dreg:$0x2];
	[bflag:$0x3] =	sbarrier.arrive $0xFFFF;
	s2 =	simm.s32 @!p0 $0x1C04  }
0x1a7: {  	[timem:s3], [sflag:s2] =	dma.local @!p0 [hbm:s0], s1  }
0x1a8: {  	s0 =	simm.s32 @!p0 $0x4  }
0x1a9: {  	_ =	swait.ge @!p0 [sflag:s0], s1  }
0x1aa: {  	s1 =	ssub.s32 @!p0 $0x0, s1;
	[sflag:s0] =	ssyncset.done @!p0 $0x0  }
0x1ab: {  	[sflag:s0] =	ssyncadd.s32 @!p0 s1  }
0x1ac: {  	[bflag:$0x3] =	sbarrier.arrive $0xFFFF  }
0x1ad: {  	_ =	shalt  }

// kernel: sparse-core-data-format-call.cloned.1.call-start
scs
called_computation_lowered:
.L_overlay_start_0:
0x0: {  	s2 =	sld [smem:$0x3FD9]  }
0x1: {  	s3 =	sld [smem:$0x3FFE];
	_ =	sdelay $0x1  }
0x2: {  	s1 =	srdreg.scid  }
0x3: {  	s0 =	sand.u32 $0x1, s1  }
0x4: {  	s18 =	sshll.u32 s0, $0xA;
	s2 =	sadd.s32 s3, s2  }
0x5: {  	s2 =	sadd.s32 s2, s18  }
0x6: {  	[smem:$0x3FC6] =	sst s2  }
0x7: {  	_ = 	snop  }
0x8: {  	s2 =	sld [smem:$0x3FD0];
	(tm) =	ssettm $0x1  }
0x9: {  	s19 =	sld [smem:$0x3FFB];
	_ =	sdelay $0x3  }
0xa: {  	_ =	strace s19  }
0xb: {  	s3 =	sld [smem:$0x3FFC];
	_ =	sdelay $0x3  }
0xc: {  	_ =	strace s3  }
0xd: {  	s3 =	sld [smem:$0x3FFD];
	_ =	sdelay $0x3  }
0xe: {  	_ =	strace s3  }
0xf: {  	_ =	strace $0x8FFFFFFF  }
0x10: {  	s20 =	sld [smem:$0x3FDB];
	_ =	sdelay $0x1  }
0x11: {  	s4 =	simm.s32 $_scs_section_size  }
0x12: {  	s5 =	simm.s32 $_size__tile_overlayer_lowered;
	s6 =	simm.s32 $_tile_overlayer_lowered  }
0x13: {  	s23 =	simm.s32 $0x1BFF;
	s22 =	sshll.u32 s6, $0x1;
	s3 =	sadd.s32 s4, s20  }
0x14: {  	s7 =	simm.s32 $0x0;
	s21 =	sshll.u32 s5, $0x1;
	s5 =	sadd.s32 s22, s3  }
0x15: {  	[timem:s7], [sflag:s23] =	dma.local [hbm:s5], s21  }
0x16: {  	_ =	swait.ge [sflag:s23], s21  }
0x17: {  	s4 =	ssub.s32 $0x0, s21;
	[sflag:s23] =	ssyncset.done $0x0  }
0x18: {  	[sflag:s23] =	ssyncadd.s32 s4;
	_ =	sdelay $0x1  }
0x19: {  	s24 =	simm.s32 $0x1B8B  }
0x1a: {  	_ =	swait.ge [sflag:s24], $0x1  }
0x1b: {  	[sflag:s24] =	ssyncset.done $0x0  }
0x1c: {  	s26 =	simm.s32 $0x1B8E;
	s25 =	sld [smem:$0x3FFE];
	[sflag:s24] =	ssyncadd.s32 $0xFFFFFFFF  }
0x1d: {  	s27 =	simm.s32 $execute0_lowered;
	[smem:$0x3FD2] =	sst s26  }
0x1e: {  	s5 =	sshll.u32 s27, $0x1;
	_ =	strace $0x80000049;
	[dreg:$0x1] =	wrdreg $0xFFFFFFFF  }
0x1f: {  	s28 =	simm.s32 $_size_execute0_lowered;
	s3 =	sadd.s32 s3, s5;
	[dreg:$0x0] =	wrdreg $0x0  }
0x20: {  	s5 =	sshll.u32 s28, $0x1;
	[dreg:$0x2] =	wrdreg s3  }
0x21: {  	[dreg:$0x3] =	wrdreg s5  }
0x22: {  	[dreg:$0x4] =	wrdreg $0xC0  }
0x23: {  	_ =	task [dreg:s7], $0x5FFFF  }
0x24: {  	[dreg:$0x1] =	wrdreg $0xFFFFFFFF  }
0x25: {  	[dreg:$0x0] =	wrdreg $0x60  }
0x26: {  	[dreg:$0x2] =	wrdreg s25  }
0x27: {  	[dreg:$0x3] =	wrdreg s2  }
0x28: {  	[dreg:$0x4] =	wrdreg $0x9  }
0x29: {  	_ =	task.clear_ibuf [dreg:s7], $0x5FFFF;
	_ =	strace $0x90000049  }
0x2a: {  	s29 =	simm.s32 $0x9;
	_ =	strace $0x8000004B  }
0x2b: {  	_ =	swait.ge [sflag:s29], $0x1  }
0x2c: {  	[sflag:s29] =	ssyncadd.s32 $0xFFFFFFFF  }
0x2d: {  	_ =	strace $0x9000004B  }
0x2e: {  	_ =	sfence  }
0x2f: {  	s30 =	sld [smem:$0x0];
	_ =	sdelay $0x2  }
0x30: {  	s31 =	sshll.u32 s1, $0xD;
	s1 =	sshrl.u32 s1, $0x2  }
0x31: {  	s3 =	sand.u32 $0x4000, s31;
	s1 =	sadd.s32 s1, s30  }
0x32: {  	s0 =	sor.u32 s3, s0;
	s1 =	sshll.u32 s1, $0x11  }
0x33: {  	s0 =	sor.u32 s1, s0  }
0x34: {  	s0 =	sadd.s32 $0x8F2B, s0  }
0x35: {  	[sflag:s0] =	ssyncadd.remote.s32 $0x1  }
0x36: {  	_ =	sfence.sel $0xFFFF  }
0x37: {  	[dreg:$0x0] =	wrdreg $0xFFFFFFFF;
	(pc) =	sbr.abs _section_cstart, $3  }
0x38: {  	[dreg:$0x1] =	wrdreg $0xFFFFFFFF  }
0x39: {  	_ =	task.clear_ibuf [dreg:s7], $0x2FFFF;
	_ =	strace $0x9FFFFFFF  }
0x3a: {  	(tm) =	ssettm $0x7FFFFFFF  }
0x3b: {  	_ =	shalt  }
tec
execute0_lowered:
.L_overlay_start_1:
0x0: {  	(tag) =	ssettag $0x1  }
0x1: {  	s0 =	srdreg.scid  }
0x2: {  	s1 =	sshll.u32 s0, $0x4  }
0x3: {  	s0 =	stileid.u32;
	s1 =	sand.u32 $0x10, s1  }
0x4: {  	s1 =	sor.u32 s0, s1  }
0x5: {  	s6 =	rddreg [dreg:$0x0];
	s4 =	simm.s32 $0x1;
	s2 =	sshll.u32 s1, $0x7  }
0x6: {  	s7 =	simm.s32 $0x2;
	s12 =	simm.s32 $0x0;
	s1 =	ssub.s32 $0x1000, s2  }
0x7: {  	s8 =	simm.s32 $0x8000;
	s13 =	simm.s32 $0x0;
	s3 =	sand.u32 $0xF80, s1  }
0x8: {  	s9 =	simm.s32 $0x0;
	s5 =	sshrl.u32 s1, $0xC;
	p0 =	sne.s32 s3, $0x0  }
.Ltmp0:
0x9: {  	s1 =	rddreg [dreg:$0x2];
	s4 =	simm.s32 @!p0 $0x0;
	(pc) =	sbr.rel .LBB1_1-.Ltmp0, $4  }
0xa: {  	s11 =	simm.s32 $0x0;
	s3 =	rddreg [dreg:$0x1];
	s5 =	sadd.s32 s4, s5  }
0xb: {  	_ =	strace $0x8000004A;
	s4 =	simm.s32 $0x1;
	s5 =	smul.u32 $0xC8, s5  }
0xc: {  	s6 =	sadd.s32 $0xA00, s6;
	s10 =	smov.u32 s2;
	[sflag:s4] =	ssyncpa.u1 $0x0  }
0xd: {  	p0 =	por $0x0, $0x0;
	[sflag:s7] =	ssyncpa.u1 $0x0;
	s7 =	sor.u32 $0x1, s5  }
.LBB1_4:
0xe: {  	s16 =	sshll.u32 s13, $0x3;
	s17 =	sand.u32 $0x78, s13  }
0xf: {  	s30 =	sand.u32 $0x3E00, s13;
	s12 =	sshll.u32 s12, $0xE;
	s16 =	sand.u32 $0xC00, s16  }
0x10: {  	s31 =	sand.u32 $0x7, s13;
	s16 =	sor.u32 s17, s16;
	s17 =	sadd.s32 s3, s30  }
0x11: {  	s13 =	sshll.u32 s31, $0x12;
	s16 =	sshrl.u32 s16, $0x3;
	s12 =	sadd.s32 s12, s17  }
0x12: {  	[tilespmem:s15+$0x0 ss:$0x81] =	vst.msk $0xffff, v0;
	s13 =	sor.u32 $0x400, s13;
	s12 =	sadd.s32 s16, s12  }
0x13: {  	[hbm4b:s12+s13] =	stream.strided.scatter [tilespmem:s14], [sflag:$0x2], $0x1000, s8, s13, $0x20;
	[tilespmem:$0x4040] =	vst v63  }
.LBB1_5:
0x14: {  	s14 =	sadd.s32 $0x1, s9  }
0x15: {  	s12 =	sadd.s32 $0x1000, s10;
	s16 =	smov.u32 s10;
	p2 =	sgt.s32 s14, $0xC7  }
0x16: {  	s16 =	smov.u32 @p2 s12  }
0x17: {  	s14 =	simm.s32 @p2 $0x0;
	p2 =	sgt.s32 s16, $0xFFF  }
0x18: {  	s16 =	smov.u32 @p2 s2;
	p2 =	sne.s32 s11, s7  }
.Ltmp1:
0x19: {  	p1 =	slt.u32 s11, $0x2;
	(pc) =	sbr.rel @!p2 .LBB1_6-.Ltmp1, $4  }
0x1a: {  	s15 =	simm.s32 @!p1 $0x2  }
0x1b: {  	s13 =	smov.u32 s10;
	p0 =	por !p0, !p0;
	_ =	swait.ge @!p1 [sflag:s15], $0x1000  }
0x1c: {  	s12 =	smov.u32 s9;
	[sflag:s15] =	ssyncset.done @!p1 $0x0;
	s9 =	smov.u32 s14  }
0x1d: {  	s11 =	sadd.s32 $0x1, s11;
	[sflag:s15] =	ssyncadd.s32 @!p1 $0xFFFFF000;
	s10 =	smov.u32 s16  }
.LBB1_1:
0x1e: {  	p1 =	sge.u32 s11, s5  }
0x1f: {  	s14 =	sand.u32 @!p1 $0x1FFFFFF, s9  }
0x20: {  	s15 =	smulhi.u32 @!p1 $0x147AE15, s14;
	_ =	sdelay $0x1  }
0x21: {  	s15 =	smul.u32 @!p1 $0xC8, s15  }
0x22: {  	s16 =	sxor.u32 @!p1 $0xFFFFFFFF, s11;
	s17 =	smul.u32 @!p1 $0xC80, s10  }
0x23: {  	s31 =	sadd.s32 $0xFFFFFFFF, s11;
	s16 =	sshll.u32 @!p1 s16, $0xC;
	s14 =	ssub.s32 @!p1 s14, s15  }
0x24: {  	s15 =	sand.u32 @!p1 $0x1000, s16;
	s16 =	sadd.s32 @!p1 s6, s17;
	s14 =	sshll.u32 @!p1 s14, $0x4  }
0x25: {  	s17 =	simm.s32 @!p1 $0x6400;
	s14 =	sadd.s32 @!p1 s14, s16;
	s16 =	simm.s32 @!p1 $0x20  }
0x26: {  	[tilespmem:s15], [sflag:$0x1] =	stream.strided.gather @!p1 [hbm4b:s14+s16], $0x1000, s17, s16, $0x38;
	[tilespmem:$0x4040] =	vst v63  }
0x27: {  	p1 =	sge.u32 s31, s5  }
.Ltmp2:
0x28: {  	_ = 	snop;
	(pc) =	sbr.rel @p1 .LBB1_5-.Ltmp2, $1  }
0x29: {  	_ =	sdelay $0x3  }
0x2a: {  	s14 =	simm.s32 $0x1  }
0x2b: {  	_ =	swait.ge [sflag:s4], $0x1000;
	s14 =	simm.s32 @!p0 $0x0  }
0x2c: {  	[sflag:s4] =	ssyncset.done $0x0;
	s15 =	sshll.u32 s14, $0xC  }
0x2d: {  	[sflag:s4] =	ssyncadd.s32 $0xFFFFF000;
	s18 =	sor.u32 $0x10, s15  }
0x2e: {  	s14 =	smul.u32 $0x4080, s14;
	v1 =	vld [tilespmem:s18+$0x0]  }
0x2f: {  	s30 =	sand.u32 $0x1, s11;
	v0 =	vld [tilespmem:s18+$0xFFFFFFF0]  }
0x30: {  	s15 =	smul.u32 $0x4080, s30;
	s14 =	sshrl.u32 s14, $0x2  }
0x31: {  	s16 =	sor.u32 $0x2000, s14  }
0x32: {  	s31 =	sshrl.u32 s15, $0x2;
	s15 =	sadd.s32 $0x0, s16  }
0x33: {  	s17 =	simm.s32 $0x4;
	s18 =	sadd.s32 $0x20, s18;
	s14 =	sor.u32 $0x2000, s31;
	[tilespmem:s15+$0x810 ss:$0x81] =	vst.msk $0xffff, v1  }
.LBB1_3:
0x34: {  	v1 =	vld [tilespmem:s18+$0x0];
	p1 =	sne.s32 s17, $0x1FC;
	[tilespmem:s15+$0x0 ss:$0x81] =	vst.msk $0xffff, v0;
	s15 =	smov.u32 s17;
	s17 =	sadd.s32 $0x4, s17  }
.Ltmp3:
0x35: {  	v0 =	vld [tilespmem:s18+$0xFFFFFFF0];
	(pc) =	sbr.rel @p1 .LBB1_3-.Ltmp3, $4  }
0x36: {  	_ = 	snop  }
0x37: {  	s15 =	sshra.s32 s15, $0x2  }
0x38: {  	s15 =	sadd.s32 s15, s16  }
0x39: {  	s18 =	sadd.s32 $0x20, s18;
	[tilespmem:s15+$0x810 ss:$0x81] =	vst.msk $0xffff, v1  }
.Ltmp4:
0x3a: {  	_ = 	snop;
	(pc) =	sbr.rel .LBB1_4-.Ltmp4, $1  }
0x3b: {  	_ =	sdelay $0x3  }
.LBB1_6:
0x3c: {  	_ =	sfence.sel $0x180000  }
0x3d: {  	s2 =	simm.s32 $0x1;
	[bflag:$0x0] =	sbarrier.arrive $0xFFFF  }
0x3e: {  	s31 =	simm.s32 $0x2;
	[sflag:s2] =	ssyncpa.u1 $0x1  }
0x3f: {  	[sflag:s31] =	ssyncpa.u1 $0x1  }
0x40: {  	p0 =	sne.s32 s0, $0x0;
	_ =	strace $0x9000004A  }
0x41: {  	s0 =	sadd.s32 @!p0 $0x100000, s1;
	[bflag:$0x2] =	sbarrier.arrive $0xFFFF  }
0x42: {  	[sflag:s0] =	ssyncadd.tile.s32 @!p0 $0x1;
	_ =	shalt  }
.Lfunc_end1:
_tile_overlayer_lowered:
.L_overlay_start_2:
0x43: {  	(tag) =	ssettag $0x2  }
0x44: {  	s0 =	rddreg [dreg:$0x0];
	s2 =	stileid.u32  }
0x45: {  	s1 =	rddreg [dreg:$0x1];
	p0 =	sne.s32 s2, $0x0  }
0x46: {  	s3 =	rddreg [dreg:$0x2];
	[bflag:$0x3] =	sbarrier.arrive $0xFFFF;
	s2 =	simm.s32 @!p0 $0x1C01  }
0x47: {  	[timem:s3], [sflag:s2] =	dma.local @!p0 [hbm:s0], s1  }
0x48: {  	s0 =	simm.s32 @!p0 $0x1  }
0x49: {  	_ =	swait.ge @!p0 [sflag:s0], s1  }
0x4a: {  	s1 =	ssub.s32 @!p0 $0x0, s1;
	[sflag:s0] =	ssyncset.done @!p0 $0x0  }
0x4b: {  	[sflag:s0] =	ssyncadd.s32 @!p0 s1  }
0x4c: {  	[bflag:$0x3] =	sbarrier.arrive $0xFFFF  }
0x4d: {  	_ =	shalt  }

</sc_bundles>
